<compile_context>
chip_gen: v7x
topology: tpu7x:2x2x1
jax: 0.10.2.dev20260603
libtpu: 0.0.44.dev20260713+nightly
codegen_flags: <defaults>
</compile_context>

<pallas_src>
import functools

import numpy as np

import jax
import jax.numpy as jnp
from jax import lax
from jax.experimental import pallas as pl
from jax.experimental.pallas import tpu as pltpu
from jax.experimental.pallas import tpu_sc as plsc

_EMBED = 2048
_EXPERTS = 16
_TOKENS = 8192

_NWORKERS = 32
_TPW = _TOKENS // _NWORKERS
_LANES = 16


def _fixed_eps(n):
    x0 = np.zeros(n, dtype=np.uint32)
    x1 = np.arange(n, dtype=np.uint32)
    ks = [np.uint32(0), np.uint32(42), np.uint32(0 ^ 42 ^ 0x1BD11BDA)]
    rot = [[13, 15, 26, 6], [17, 29, 16, 24]]

    def rotl(v, d):
        return (v << np.uint32(d)) | (v >> np.uint32(32 - d))

    x0 = x0 + ks[0]
    x1 = x1 + ks[1]
    for i in range(5):
        for r in rot[i % 2]:
            x0 = x0 + x1
            x1 = rotl(x1, r)
            x1 = x0 ^ x1
        x0 = x0 + ks[(i + 1) % 3]
        x1 = x1 + ks[(i + 2) % 3] + np.uint32(i + 1)
    bits = x0 ^ x1
    fb = ((bits >> np.uint32(9)) | np.uint32(0x3F800000)).view(np.float32)
    lo = np.float32(np.nextafter(np.float32(-1), np.float32(0)))
    hi = np.float32(1)
    u = np.maximum(lo, ((fb - np.float32(1)) * (hi - lo) + lo).astype(np.float32))
    w = (-np.log1p((-(u * u)).astype(np.float32))).astype(np.float32)
    wa = (w - np.float32(2.5)).astype(np.float32)
    pa = np.float32(2.81022636e-08)
    for c in [3.43273939e-07, -3.5233877e-06, -4.39150654e-06, 0.00021858087,
              -0.00125372503, -0.00417768164, 0.246640727, 1.50140941]:
        pa = np.float32(c) + pa * wa
    wb = (np.sqrt(w, dtype=np.float32) - np.float32(3)).astype(np.float32)
    pb = np.float32(-0.000200214257)
    for c in [0.000100950558, 0.00134934322, -0.00367342844, 0.00573950773,
              -0.0076224613, 0.00943887047, 1.00167406, 2.83297682]:
        pb = np.float32(c) + pb * wb
    p = np.where(w < np.float32(5), pa, pb).astype(np.float32)
    return (np.float32(np.sqrt(2.0)) * (p * u)).astype(np.float32)


_EPS_T = _fixed_eps(_TOKENS * _EXPERTS).reshape(_TOKENS, _EXPERTS).T.copy()


def _noisy_logits_body(x_ref, w_ref, eps_ref, out_ref):
    acc = jax.lax.dot_general(
        w_ref[...], x_ref[...],
        dimension_numbers=(((0,), (1,)), ((), ())),
        preferred_element_type=jnp.float32,
    )
    logits = acc[:_EXPERTS, :]
    raw = acc[_EXPERTS:, :]
    sp = jnp.maximum(raw, 0.0) + jnp.log1p(jnp.exp(-jnp.abs(raw)))
    scale = jnp.minimum(sp, 10.0)
    vals = logits + eps_ref[...] * scale
    for w in range(vals.shape[1] // _TPW):
        out_ref[w] = vals[:, w * _TPW:(w + 1) * _TPW]


def _noisy_logits(x, W):
    block = 1024
    grid = _TOKENS // block
    return pl.pallas_call(
        _noisy_logits_body,
        grid=(grid,),
        in_specs=[
            pl.BlockSpec((block, _EMBED), lambda i: (i, 0)),
            pl.BlockSpec((_EMBED, 2 * _EXPERTS), lambda i: (0, 0)),
            pl.BlockSpec((_EXPERTS, block), lambda i: (0, i)),
        ],
        out_specs=pl.BlockSpec((block // _TPW, _EXPERTS, _TPW), lambda i: (i, 0, 0)),
        out_shape=jax.ShapeDtypeStruct((_NWORKERS, _EXPERTS, _TPW), jnp.float32),
        compiler_params=pltpu.CompilerParams(
            dimension_semantics=("parallel",),
        ),
    )(x, W, _EPS_T)


def _topk_sc_kernel(nl_hbm, gates_hbm, idx_hbm, nl_v, g_v, i_v):
    wid = lax.axis_index("s") * 2 + lax.axis_index("c")
    pltpu.sync_copy(nl_hbm.at[wid], nl_v)

    def body(g, carry):
        off = g * _LANES
        v = [nl_v[e, pl.ds(off, _LANES)] for e in range(_EXPERTS)]
        m1 = v[0]
        i1 = jnp.zeros((_LANES,), jnp.int32)
        for e in range(1, _EXPERTS):
            upd = v[e] > m1
            m1 = jnp.where(upd, v[e], m1)
            i1 = jnp.where(upd, e, i1)
        m2 = jnp.full((_LANES,), -jnp.inf, jnp.float32)
        i2 = jnp.zeros((_LANES,), jnp.int32)
        for e in range(_EXPERTS):
            cand = jnp.where(i1 == e, -jnp.inf, v[e])
            upd = cand > m2
            m2 = jnp.where(upd, cand, m2)
            i2 = jnp.where(upd, e, i2)
        ex = jnp.exp(m2 - m1)
        denom = 1.0 + ex
        g_v[0, pl.ds(off, _LANES)] = 1.0 / denom
        g_v[1, pl.ds(off, _LANES)] = ex / denom
        i_v[0, pl.ds(off, _LANES)] = i1
        i_v[1, pl.ds(off, _LANES)] = i2
        return carry

    lax.fori_loop(0, _TPW // _LANES, body, 0)

    pltpu.sync_copy(g_v, gates_hbm.at[wid])
    pltpu.sync_copy(i_v, idx_hbm.at[wid])


_topk_sc = functools.partial(
    pl.kernel,
    mesh=plsc.VectorSubcoreMesh(core_axis_name="c", subcore_axis_name="s"),
    out_type=[
        jax.ShapeDtypeStruct((_NWORKERS, 2, _TPW), jnp.float32),
        jax.ShapeDtypeStruct((_NWORKERS, 2, _TPW), jnp.int32),
    ],
    scratch_types=[
        pltpu.VMEM((_EXPERTS, _TPW), jnp.float32),
        pltpu.VMEM((2, _TPW), jnp.float32),
        pltpu.VMEM((2, _TPW), jnp.int32),
    ],
)(_topk_sc_kernel)


def kernel(x, W_g, W_noise):
    W = jnp.concatenate([W_g, W_noise], axis=1)
    noisy_b = _noisy_logits(x, W)
    gates_b, idx_b = _topk_sc(noisy_b)
    gates = gates_b.transpose(0, 2, 1).reshape(_TOKENS, 2)
    idx = idx_b.transpose(0, 2, 1).reshape(_TOKENS, 2)
    return gates, idx

# --- scband reference (transcript-rebuilt; emitter-appended) ---
"""Pipeline reference for scband-gating-network-2851858284901 (READ-ONLY COPY).

The authoritative reference and input builder live on the scoring server;
editing this copy changes nothing except your own understanding.
"""

import jax, jax.numpy as jnp
import numpy as np

EMBED_DIM = 2048
NUM_EXPERTS = 16
TOP_K = 2
NOISE_STD = 1.0
TOKENS = 8192


def setup_inputs(seed: int = 0) -> dict:
    key = jax.random.key(seed)
    k1, k2, k3 = jax.random.split(key, 3)
    x = jax.random.normal(k1, (TOKENS, EMBED_DIM), dtype=jnp.float32)
    W_g = jax.random.normal(k2, (EMBED_DIM, NUM_EXPERTS), dtype=jnp.float32)
    W_noise = jax.random.normal(k3, (EMBED_DIM, NUM_EXPERTS), dtype=jnp.float32)
    return {"x": x, "W_g": W_g, "W_noise": W_noise}


def reference(x, W_g, W_noise):
    logits = x @ W_g
    # torch.randn_like(logits) replicated with a fixed key for determinism
    eps = jax.random.normal(jax.random.key(42), logits.shape, dtype=logits.dtype)
    noise = eps * NOISE_STD
    noise = noise * jnp.minimum(jax.nn.softplus(x @ W_noise), 10.0)
    noisy_logits = logits + noise
    top_k_values, top_k_indices = jax.lax.top_k(noisy_logits, TOP_K)
    top_k_gates = jax.nn.softmax(top_k_values.astype(jnp.float32), axis=-1).astype(top_k_values.dtype)
    top_k_gates = jnp.nan_to_num(top_k_gates, nan=0.0, posinf=0.0, neginf=0.0)
    return (top_k_gates, top_k_indices)

if __name__ == "__main__":
    import jax
    _d = setup_inputs()
    print(jax.jit(kernel)(*tuple(_d.values())))

</pallas_src>

<mosaic_0001>
#map = affine_map<(d0, d1) -> (0, 0, 0)>
module attributes {stable_mosaic.version = 14 : i64} {
  func.func @_topk_sc_kernel(%arg0: i32, %arg1: i32, %arg2: memref<32x16x256xf32, #tpu.memory_space<hbm>>, %arg3: memref<32x2x256xf32, #tpu.memory_space<hbm>>, %arg4: memref<32x2x256xi32, #tpu.memory_space<hbm>>, %arg5: memref<16x256xf32, #tpu.memory_space<vmem>>, %arg6: memref<2x256xf32, #tpu.memory_space<vmem>>, %arg7: memref<2x256xi32, #tpu.memory_space<vmem>>) attributes {dimension_semantics = [#tpu.dimension_semantics<core_parallel>, #tpu.dimension_semantics<subcore_parallel>], iteration_bounds = array<i64: 2, 16>, scalar_prefetch = 0 : i64, scratch_operands = 3 : i64, tpu.core_type = #tpu.core_type<sc_vector_subcore>, window_params = [{transform_indices = #map}, {transform_indices = #map}, {transform_indices = #map}]} {
    %mul3A = arith.constant 2 : i32
    %mul3A_0 = arith.muli %arg1, %mul3A : i32
    %add3A = arith.addi %mul3A_0, %arg0 : i32
    "tpu.region"() ({
      %run_scoped3A = tpu.sem_alloc : memref<!tpu.dma_semaphore, #tpu.memory_space<semaphore_mem>>
      %dma_start3A = arith.constant 0 : i32
      %dma_start3A_6 = arith.constant 0 : i32
      %dma_start3A_7 = tpu.memref_slice %arg2[%add3A, %dma_start3A, %dma_start3A_6] : memref<32x16x256xf32, #tpu.memory_space<hbm>> -> memref<1x16x256xf32, #tpu.memory_space<hbm>>
      %dma_start3A_8 = tpu.memref_squeeze %dma_start3A_7 : memref<1x16x256xf32, #tpu.memory_space<hbm>> -> memref<16x256xf32, #tpu.memory_space<hbm>>
      %dma_start3A_9 = arith.constant 0 : i32
      %dma_start3A_10 = arith.constant 0 : i32
      %dma_start3A_11 = tpu.memref_slice %arg2[%add3A, %dma_start3A_9, %dma_start3A_10] : memref<32x16x256xf32, #tpu.memory_space<hbm>> -> memref<1x16x256xf32, #tpu.memory_space<hbm>>
      %dma_start3A_12 = tpu.memref_squeeze %dma_start3A_11 : memref<1x16x256xf32, #tpu.memory_space<hbm>> -> memref<16x256xf32, #tpu.memory_space<hbm>>
      tpu.enqueue_dma source(%dma_start3A_12 : memref<16x256xf32, #tpu.memory_space<hbm>>) target(%arg5 : memref<16x256xf32, #tpu.memory_space<vmem>>) target_semaphore(%run_scoped3A : memref<!tpu.dma_semaphore, #tpu.memory_space<semaphore_mem>>)
      %dma_wait3A = arith.constant 0 : i32
      %dma_wait3A_13 = arith.constant 0 : i32
      %dma_wait3A_14 = tpu.memref_slice %arg2[%add3A, %dma_wait3A, %dma_wait3A_13] : memref<32x16x256xf32, #tpu.memory_space<hbm>> -> memref<1x16x256xf32, #tpu.memory_space<hbm>>
      %dma_wait3A_15 = tpu.memref_squeeze %dma_wait3A_14 : memref<1x16x256xf32, #tpu.memory_space<hbm>> -> memref<16x256xf32, #tpu.memory_space<hbm>>
      %dma_wait3A_16 = arith.constant 0 : i32
      %dma_wait3A_17 = arith.constant 0 : i32
      %dma_wait3A_18 = tpu.memref_slice %arg2[%add3A, %dma_wait3A_16, %dma_wait3A_17] : memref<32x16x256xf32, #tpu.memory_space<hbm>> -> memref<1x16x256xf32, #tpu.memory_space<hbm>>
      %dma_wait3A_19 = tpu.memref_squeeze %dma_wait3A_18 : memref<1x16x256xf32, #tpu.memory_space<hbm>> -> memref<16x256xf32, #tpu.memory_space<hbm>>
      tpu.wait_dma2 semaphore(%run_scoped3A : memref<!tpu.dma_semaphore, #tpu.memory_space<semaphore_mem>>) src(%dma_wait3A_19 : memref<16x256xf32, #tpu.memory_space<hbm>>) dst(%arg5 : memref<16x256xf32, #tpu.memory_space<vmem>>)
      tpu.yield
    }) : () -> ()
    %scan3A = arith.constant 0 : i32
    %scan3A_1 = arith.constant 0 : i32
    %scan3A_2 = arith.constant 16 : i32
    %scan3A_3 = arith.addi %scan3A_1, %scan3A_2 : i32
    %scan3A_4 = arith.constant 1 : i32
    scf.for %scan3A_6 = %scan3A_1 to %scan3A_3 step %scan3A_4  : i32 {
      %mul3A_7 = arith.constant 16 : i32
      %mul3A_8 = arith.muli %scan3A_6, %mul3A_7 : i32
      %get3A = arith.constant 0 : i32
      %get3A_9 = arith.index_cast %get3A : i32 to index
      %get3A_10 = arith.index_cast %mul3A_8 : i32 to index
      %get3A_11 = tpu.vector_load %arg5[%get3A_9, %get3A_10] {strides = array<i32>} : memref<16x256xf32, #tpu.memory_space<vmem>>, vector<1x16xf32>,
      %get3A_12 = vector.shape_cast %get3A_11 : vector<1x16xf32> to vector<16xf32>
      %get3A_13 = arith.constant 1 : i32
      %get3A_14 = arith.index_cast %get3A_13 : i32 to index
      %get3A_15 = arith.index_cast %mul3A_8 : i32 to index
      %get3A_16 = tpu.vector_load %arg5[%get3A_14, %get3A_15] {strides = array<i32>} : memref<16x256xf32, #tpu.memory_space<vmem>>, vector<1x16xf32>,
      %get3A_17 = vector.shape_cast %get3A_16 : vector<1x16xf32> to vector<16xf32>
      %get3A_18 = arith.constant 2 : i32
      %get3A_19 = arith.index_cast %get3A_18 : i32 to index
      %get3A_20 = arith.index_cast %mul3A_8 : i32 to index
      %get3A_21 = tpu.vector_load %arg5[%get3A_19, %get3A_20] {strides = array<i32>} : memref<16x256xf32, #tpu.memory_space<vmem>>, vector<1x16xf32>,
      %get3A_22 = vector.shape_cast %get3A_21 : vector<1x16xf32> to vector<16xf32>
      %get3A_23 = arith.constant 3 : i32
      %get3A_24 = arith.index_cast %get3A_23 : i32 to index
      %get3A_25 = arith.index_cast %mul3A_8 : i32 to index
      %get3A_26 = tpu.vector_load %arg5[%get3A_24, %get3A_25] {strides = array<i32>} : memref<16x256xf32, #tpu.memory_space<vmem>>, vector<1x16xf32>,
      %get3A_27 = vector.shape_cast %get3A_26 : vector<1x16xf32> to vector<16xf32>
      %get3A_28 = arith.constant 4 : i32
      %get3A_29 = arith.index_cast %get3A_28 : i32 to index
      %get3A_30 = arith.index_cast %mul3A_8 : i32 to index
      %get3A_31 = tpu.vector_load %arg5[%get3A_29, %get3A_30] {strides = array<i32>} : memref<16x256xf32, #tpu.memory_space<vmem>>, vector<1x16xf32>,
      %get3A_32 = vector.shape_cast %get3A_31 : vector<1x16xf32> to vector<16xf32>
      %get3A_33 = arith.constant 5 : i32
      %get3A_34 = arith.index_cast %get3A_33 : i32 to index
      %get3A_35 = arith.index_cast %mul3A_8 : i32 to index
      %get3A_36 = tpu.vector_load %arg5[%get3A_34, %get3A_35] {strides = array<i32>} : memref<16x256xf32, #tpu.memory_space<vmem>>, vector<1x16xf32>,
      %get3A_37 = vector.shape_cast %get3A_36 : vector<1x16xf32> to vector<16xf32>
      %get3A_38 = arith.constant 6 : i32
      %get3A_39 = arith.index_cast %get3A_38 : i32 to index
      %get3A_40 = arith.index_cast %mul3A_8 : i32 to index
      %get3A_41 = tpu.vector_load %arg5[%get3A_39, %get3A_40] {strides = array<i32>} : memref<16x256xf32, #tpu.memory_space<vmem>>, vector<1x16xf32>,
      %get3A_42 = vector.shape_cast %get3A_41 : vector<1x16xf32> to vector<16xf32>
      %get3A_43 = arith.constant 7 : i32
      %get3A_44 = arith.index_cast %get3A_43 : i32 to index
      %get3A_45 = arith.index_cast %mul3A_8 : i32 to index
      %get3A_46 = tpu.vector_load %arg5[%get3A_44, %get3A_45] {strides = array<i32>} : memref<16x256xf32, #tpu.memory_space<vmem>>, vector<1x16xf32>,
      %get3A_47 = vector.shape_cast %get3A_46 : vector<1x16xf32> to vector<16xf32>
      %get3A_48 = arith.constant 8 : i32
      %get3A_49 = arith.index_cast %get3A_48 : i32 to index
      %get3A_50 = arith.index_cast %mul3A_8 : i32 to index
      %get3A_51 = tpu.vector_load %arg5[%get3A_49, %get3A_50] {strides = array<i32>} : memref<16x256xf32, #tpu.memory_space<vmem>>, vector<1x16xf32>,
      %get3A_52 = vector.shape_cast %get3A_51 : vector<1x16xf32> to vector<16xf32>
      %get3A_53 = arith.constant 9 : i32
      %get3A_54 = arith.index_cast %get3A_53 : i32 to index
      %get3A_55 = arith.index_cast %mul3A_8 : i32 to index
      %get3A_56 = tpu.vector_load %arg5[%get3A_54, %get3A_55] {strides = array<i32>} : memref<16x256xf32, #tpu.memory_space<vmem>>, vector<1x16xf32>,
      %get3A_57 = vector.shape_cast %get3A_56 : vector<1x16xf32> to vector<16xf32>
      %get3A_58 = arith.constant 10 : i32
      %get3A_59 = arith.index_cast %get3A_58 : i32 to index
      %get3A_60 = arith.index_cast %mul3A_8 : i32 to index
      %get3A_61 = tpu.vector_load %arg5[%get3A_59, %get3A_60] {strides = array<i32>} : memref<16x256xf32, #tpu.memory_space<vmem>>, vector<1x16xf32>,
      %get3A_62 = vector.shape_cast %get3A_61 : vector<1x16xf32> to vector<16xf32>
      %get3A_63 = arith.constant 11 : i32
      %get3A_64 = arith.index_cast %get3A_63 : i32 to index
      %get3A_65 = arith.index_cast %mul3A_8 : i32 to index
      %get3A_66 = tpu.vector_load %arg5[%get3A_64, %get3A_65] {strides = array<i32>} : memref<16x256xf32, #tpu.memory_space<vmem>>, vector<1x16xf32>,
      %get3A_67 = vector.shape_cast %get3A_66 : vector<1x16xf32> to vector<16xf32>
      %get3A_68 = arith.constant 12 : i32
      %get3A_69 = arith.index_cast %get3A_68 : i32 to index
      %get3A_70 = arith.index_cast %mul3A_8 : i32 to index
      %get3A_71 = tpu.vector_load %arg5[%get3A_69, %get3A_70] {strides = array<i32>} : memref<16x256xf32, #tpu.memory_space<vmem>>, vector<1x16xf32>,
      %get3A_72 = vector.shape_cast %get3A_71 : vector<1x16xf32> to vector<16xf32>
      %get3A_73 = arith.constant 13 : i32
      %get3A_74 = arith.index_cast %get3A_73 : i32 to index
      %get3A_75 = arith.index_cast %mul3A_8 : i32 to index
      %get3A_76 = tpu.vector_load %arg5[%get3A_74, %get3A_75] {strides = array<i32>} : memref<16x256xf32, #tpu.memory_space<vmem>>, vector<1x16xf32>,
      %get3A_77 = vector.shape_cast %get3A_76 : vector<1x16xf32> to vector<16xf32>
      %get3A_78 = arith.constant 14 : i32
      %get3A_79 = arith.index_cast %get3A_78 : i32 to index
      %get3A_80 = arith.index_cast %mul3A_8 : i32 to index
      %get3A_81 = tpu.vector_load %arg5[%get3A_79, %get3A_80] {strides = array<i32>} : memref<16x256xf32, #tpu.memory_space<vmem>>, vector<1x16xf32>,
      %get3A_82 = vector.shape_cast %get3A_81 : vector<1x16xf32> to vector<16xf32>
      %get3A_83 = arith.constant 15 : i32
      %get3A_84 = arith.index_cast %get3A_83 : i32 to index
      %get3A_85 = arith.index_cast %mul3A_8 : i32 to index
      %get3A_86 = tpu.vector_load %arg5[%get3A_84, %get3A_85] {strides = array<i32>} : memref<16x256xf32, #tpu.memory_space<vmem>>, vector<1x16xf32>,
      %get3A_87 = vector.shape_cast %get3A_86 : vector<1x16xf32> to vector<16xf32>
      %broadcast_in_dim3A = arith.constant 0 : i32
      %broadcast_in_dim3A_88 = vector.broadcast %broadcast_in_dim3A : i32 to vector<16xi32>
      %gt3A = arith.cmpf ogt, %get3A_17, %get3A_12 : vector<16xf32>
      %select_n3A = arith.select %gt3A, %get3A_17, %get3A_12 : vector<16xi1>, vector<16xf32>
      %jit3A = arith.constant 1 : i32
      %broadcast_in_dim3A_89 = vector.broadcast %jit3A : i32 to vector<16xi32>
      %select_n3A_90 = arith.select %gt3A, %broadcast_in_dim3A_89, %broadcast_in_dim3A_88 : vector<16xi1>, vector<16xi32>
      %gt3A_91 = arith.cmpf ogt, %get3A_22, %select_n3A : vector<16xf32>
      %select_n3A_92 = arith.select %gt3A_91, %get3A_22, %select_n3A : vector<16xi1>, vector<16xf32>
      %jit3A_93 = arith.constant 2 : i32
      %broadcast_in_dim3A_94 = vector.broadcast %jit3A_93 : i32 to vector<16xi32>
      %select_n3A_95 = arith.select %gt3A_91, %broadcast_in_dim3A_94, %select_n3A_90 : vector<16xi1>, vector<16xi32>
      %gt3A_96 = arith.cmpf ogt, %get3A_27, %select_n3A_92 : vector<16xf32>
      %select_n3A_97 = arith.select %gt3A_96, %get3A_27, %select_n3A_92 : vector<16xi1>, vector<16xf32>
      %jit3A_98 = arith.constant 3 : i32
      %broadcast_in_dim3A_99 = vector.broadcast %jit3A_98 : i32 to vector<16xi32>
      %select_n3A_100 = arith.select %gt3A_96, %broadcast_in_dim3A_99, %select_n3A_95 : vector<16xi1>, vector<16xi32>
      %gt3A_101 = arith.cmpf ogt, %get3A_32, %select_n3A_97 : vector<16xf32>
      %select_n3A_102 = arith.select %gt3A_101, %get3A_32, %select_n3A_97 : vector<16xi1>, vector<16xf32>
      %jit3A_103 = arith.constant 4 : i32
      %broadcast_in_dim3A_104 = vector.broadcast %jit3A_103 : i32 to vector<16xi32>
      %select_n3A_105 = arith.select %gt3A_101, %broadcast_in_dim3A_104, %select_n3A_100 : vector<16xi1>, vector<16xi32>
      %gt3A_106 = arith.cmpf ogt, %get3A_37, %select_n3A_102 : vector<16xf32>
      %select_n3A_107 = arith.select %gt3A_106, %get3A_37, %select_n3A_102 : vector<16xi1>, vector<16xf32>
      %jit3A_108 = arith.constant 5 : i32
      %broadcast_in_dim3A_109 = vector.broadcast %jit3A_108 : i32 to vector<16xi32>
      %select_n3A_110 = arith.select %gt3A_106, %broadcast_in_dim3A_109, %select_n3A_105 : vector<16xi1>, vector<16xi32>
      %gt3A_111 = arith.cmpf ogt, %get3A_42, %select_n3A_107 : vector<16xf32>
      %select_n3A_112 = arith.select %gt3A_111, %get3A_42, %select_n3A_107 : vector<16xi1>, vector<16xf32>
      %jit3A_113 = arith.constant 6 : i32
      %broadcast_in_dim3A_114 = vector.broadcast %jit3A_113 : i32 to vector<16xi32>
      %select_n3A_115 = arith.select %gt3A_111, %broadcast_in_dim3A_114, %select_n3A_110 : vector<16xi1>, vector<16xi32>
      %gt3A_116 = arith.cmpf ogt, %get3A_47, %select_n3A_112 : vector<16xf32>
      %select_n3A_117 = arith.select %gt3A_116, %get3A_47, %select_n3A_112 : vector<16xi1>, vector<16xf32>
      %jit3A_118 = arith.constant 7 : i32
      %broadcast_in_dim3A_119 = vector.broadcast %jit3A_118 : i32 to vector<16xi32>
      %select_n3A_120 = arith.select %gt3A_116, %broadcast_in_dim3A_119, %select_n3A_115 : vector<16xi1>, vector<16xi32>
      %gt3A_121 = arith.cmpf ogt, %get3A_52, %select_n3A_117 : vector<16xf32>
      %select_n3A_122 = arith.select %gt3A_121, %get3A_52, %select_n3A_117 : vector<16xi1>, vector<16xf32>
      %jit3A_123 = arith.constant 8 : i32
      %broadcast_in_dim3A_124 = vector.broadcast %jit3A_123 : i32 to vector<16xi32>
      %select_n3A_125 = arith.select %gt3A_121, %broadcast_in_dim3A_124, %select_n3A_120 : vector<16xi1>, vector<16xi32>
      %gt3A_126 = arith.cmpf ogt, %get3A_57, %select_n3A_122 : vector<16xf32>
      %select_n3A_127 = arith.select %gt3A_126, %get3A_57, %select_n3A_122 : vector<16xi1>, vector<16xf32>
      %jit3A_128 = arith.constant 9 : i32
      %broadcast_in_dim3A_129 = vector.broadcast %jit3A_128 : i32 to vector<16xi32>
      %select_n3A_130 = arith.select %gt3A_126, %broadcast_in_dim3A_129, %select_n3A_125 : vector<16xi1>, vector<16xi32>
      %gt3A_131 = arith.cmpf ogt, %get3A_62, %select_n3A_127 : vector<16xf32>
      %select_n3A_132 = arith.select %gt3A_131, %get3A_62, %select_n3A_127 : vector<16xi1>, vector<16xf32>
      %jit3A_133 = arith.constant 10 : i32
      %broadcast_in_dim3A_134 = vector.broadcast %jit3A_133 : i32 to vector<16xi32>
      %select_n3A_135 = arith.select %gt3A_131, %broadcast_in_dim3A_134, %select_n3A_130 : vector<16xi1>, vector<16xi32>
      %gt3A_136 = arith.cmpf ogt, %get3A_67, %select_n3A_132 : vector<16xf32>
      %select_n3A_137 = arith.select %gt3A_136, %get3A_67, %select_n3A_132 : vector<16xi1>, vector<16xf32>
      %jit3A_138 = arith.constant 11 : i32
      %broadcast_in_dim3A_139 = vector.broadcast %jit3A_138 : i32 to vector<16xi32>
      %select_n3A_140 = arith.select %gt3A_136, %broadcast_in_dim3A_139, %select_n3A_135 : vector<16xi1>, vector<16xi32>
      %gt3A_141 = arith.cmpf ogt, %get3A_72, %select_n3A_137 : vector<16xf32>
      %select_n3A_142 = arith.select %gt3A_141, %get3A_72, %select_n3A_137 : vector<16xi1>, vector<16xf32>
      %jit3A_143 = arith.constant 12 : i32
      %broadcast_in_dim3A_144 = vector.broadcast %jit3A_143 : i32 to vector<16xi32>
      %select_n3A_145 = arith.select %gt3A_141, %broadcast_in_dim3A_144, %select_n3A_140 : vector<16xi1>, vector<16xi32>
      %gt3A_146 = arith.cmpf ogt, %get3A_77, %select_n3A_142 : vector<16xf32>
      %select_n3A_147 = arith.select %gt3A_146, %get3A_77, %select_n3A_142 : vector<16xi1>, vector<16xf32>
      %jit3A_148 = arith.constant 13 : i32
      %broadcast_in_dim3A_149 = vector.broadcast %jit3A_148 : i32 to vector<16xi32>
      %select_n3A_150 = arith.select %gt3A_146, %broadcast_in_dim3A_149, %select_n3A_145 : vector<16xi1>, vector<16xi32>
      %gt3A_151 = arith.cmpf ogt, %get3A_82, %select_n3A_147 : vector<16xf32>
      %select_n3A_152 = arith.select %gt3A_151, %get3A_82, %select_n3A_147 : vector<16xi1>, vector<16xf32>
      %jit3A_153 = arith.constant 14 : i32
      %broadcast_in_dim3A_154 = vector.broadcast %jit3A_153 : i32 to vector<16xi32>
      %select_n3A_155 = arith.select %gt3A_151, %broadcast_in_dim3A_154, %select_n3A_150 : vector<16xi1>, vector<16xi32>
      %gt3A_156 = arith.cmpf ogt, %get3A_87, %select_n3A_152 : vector<16xf32>
      %select_n3A_157 = arith.select %gt3A_156, %get3A_87, %select_n3A_152 : vector<16xi1>, vector<16xf32>
      %jit3A_158 = arith.constant 15 : i32
      %broadcast_in_dim3A_159 = vector.broadcast %jit3A_158 : i32 to vector<16xi32>
      %select_n3A_160 = arith.select %gt3A_156, %broadcast_in_dim3A_159, %select_n3A_155 : vector<16xi1>, vector<16xi32>
      %broadcast_in_dim3A_161 = arith.constant 0xFF800000 : f32
      %broadcast_in_dim3A_162 = vector.broadcast %broadcast_in_dim3A_161 : f32 to vector<16xf32>
      %broadcast_in_dim3A_163 = arith.constant 0 : i32
      %broadcast_in_dim3A_164 = vector.broadcast %broadcast_in_dim3A_163 : i32 to vector<16xi32>
      %eq3A = arith.constant 0 : i32
      %eq3A_165 = vector.broadcast %eq3A : i32 to vector<16xi32>
      %eq3A_166 = arith.cmpi eq, %select_n3A_160, %eq3A_165 : vector<16xi32>
      %jit3A_167 = arith.constant 0xFF800000 : f32
      %broadcast_in_dim3A_168 = vector.broadcast %jit3A_167 : f32 to vector<16xf32>
      %select_n3A_169 = arith.select %eq3A_166, %broadcast_in_dim3A_168, %get3A_12 : vector<16xi1>, vector<16xf32>
      %gt3A_170 = arith.cmpf ogt, %select_n3A_169, %broadcast_in_dim3A_162 : vector<16xf32>
      %select_n3A_171 = arith.select %gt3A_170, %select_n3A_169, %broadcast_in_dim3A_162 : vector<16xi1>, vector<16xf32>
      %jit3A_172 = arith.constant 0 : i32
      %broadcast_in_dim3A_173 = vector.broadcast %jit3A_172 : i32 to vector<16xi32>
      %select_n3A_174 = arith.select %gt3A_170, %broadcast_in_dim3A_173, %broadcast_in_dim3A_164 : vector<16xi1>, vector<16xi32>
      %eq3A_175 = arith.constant 1 : i32
      %eq3A_176 = vector.broadcast %eq3A_175 : i32 to vector<16xi32>
      %eq3A_177 = arith.cmpi eq, %select_n3A_160, %eq3A_176 : vector<16xi32>
      %jit3A_178 = arith.constant 0xFF800000 : f32
      %broadcast_in_dim3A_179 = vector.broadcast %jit3A_178 : f32 to vector<16xf32>
      %select_n3A_180 = arith.select %eq3A_177, %broadcast_in_dim3A_179, %get3A_17 : vector<16xi1>, vector<16xf32>
      %gt3A_181 = arith.cmpf ogt, %select_n3A_180, %select_n3A_171 : vector<16xf32>
      %select_n3A_182 = arith.select %gt3A_181, %select_n3A_180, %select_n3A_171 : vector<16xi1>, vector<16xf32>
      %jit3A_183 = arith.constant 1 : i32
      %broadcast_in_dim3A_184 = vector.broadcast %jit3A_183 : i32 to vector<16xi32>
      %select_n3A_185 = arith.select %gt3A_181, %broadcast_in_dim3A_184, %select_n3A_174 : vector<16xi1>, vector<16xi32>
      %eq3A_186 = arith.constant 2 : i32
      %eq3A_187 = vector.broadcast %eq3A_186 : i32 to vector<16xi32>
      %eq3A_188 = arith.cmpi eq, %select_n3A_160, %eq3A_187 : vector<16xi32>
      %jit3A_189 = arith.constant 0xFF800000 : f32
      %broadcast_in_dim3A_190 = vector.broadcast %jit3A_189 : f32 to vector<16xf32>
      %select_n3A_191 = arith.select %eq3A_188, %broadcast_in_dim3A_190, %get3A_22 : vector<16xi1>, vector<16xf32>
      %gt3A_192 = arith.cmpf ogt, %select_n3A_191, %select_n3A_182 : vector<16xf32>
      %select_n3A_193 = arith.select %gt3A_192, %select_n3A_191, %select_n3A_182 : vector<16xi1>, vector<16xf32>
      %jit3A_194 = arith.constant 2 : i32
      %broadcast_in_dim3A_195 = vector.broadcast %jit3A_194 : i32 to vector<16xi32>
      %select_n3A_196 = arith.select %gt3A_192, %broadcast_in_dim3A_195, %select_n3A_185 : vector<16xi1>, vector<16xi32>
      %eq3A_197 = arith.constant 3 : i32
      %eq3A_198 = vector.broadcast %eq3A_197 : i32 to vector<16xi32>
      %eq3A_199 = arith.cmpi eq, %select_n3A_160, %eq3A_198 : vector<16xi32>
      %jit3A_200 = arith.constant 0xFF800000 : f32
      %broadcast_in_dim3A_201 = vector.broadcast %jit3A_200 : f32 to vector<16xf32>
      %select_n3A_202 = arith.select %eq3A_199, %broadcast_in_dim3A_201, %get3A_27 : vector<16xi1>, vector<16xf32>
      %gt3A_203 = arith.cmpf ogt, %select_n3A_202, %select_n3A_193 : vector<16xf32>
      %select_n3A_204 = arith.select %gt3A_203, %select_n3A_202, %select_n3A_193 : vector<16xi1>, vector<16xf32>
      %jit3A_205 = arith.constant 3 : i32
      %broadcast_in_dim3A_206 = vector.broadcast %jit3A_205 : i32 to vector<16xi32>
      %select_n3A_207 = arith.select %gt3A_203, %broadcast_in_dim3A_206, %select_n3A_196 : vector<16xi1>, vector<16xi32>
      %eq3A_208 = arith.constant 4 : i32
      %eq3A_209 = vector.broadcast %eq3A_208 : i32 to vector<16xi32>
      %eq3A_210 = arith.cmpi eq, %select_n3A_160, %eq3A_209 : vector<16xi32>
      %jit3A_211 = arith.constant 0xFF800000 : f32
      %broadcast_in_dim3A_212 = vector.broadcast %jit3A_211 : f32 to vector<16xf32>
      %select_n3A_213 = arith.select %eq3A_210, %broadcast_in_dim3A_212, %get3A_32 : vector<16xi1>, vector<16xf32>
      %gt3A_214 = arith.cmpf ogt, %select_n3A_213, %select_n3A_204 : vector<16xf32>
      %select_n3A_215 = arith.select %gt3A_214, %select_n3A_213, %select_n3A_204 : vector<16xi1>, vector<16xf32>
      %jit3A_216 = arith.constant 4 : i32
      %broadcast_in_dim3A_217 = vector.broadcast %jit3A_216 : i32 to vector<16xi32>
      %select_n3A_218 = arith.select %gt3A_214, %broadcast_in_dim3A_217, %select_n3A_207 : vector<16xi1>, vector<16xi32>
      %eq3A_219 = arith.constant 5 : i32
      %eq3A_220 = vector.broadcast %eq3A_219 : i32 to vector<16xi32>
      %eq3A_221 = arith.cmpi eq, %select_n3A_160, %eq3A_220 : vector<16xi32>
      %jit3A_222 = arith.constant 0xFF800000 : f32
      %broadcast_in_dim3A_223 = vector.broadcast %jit3A_222 : f32 to vector<16xf32>
      %select_n3A_224 = arith.select %eq3A_221, %broadcast_in_dim3A_223, %get3A_37 : vector<16xi1>, vector<16xf32>
      %gt3A_225 = arith.cmpf ogt, %select_n3A_224, %select_n3A_215 : vector<16xf32>
      %select_n3A_226 = arith.select %gt3A_225, %select_n3A_224, %select_n3A_215 : vector<16xi1>, vector<16xf32>
      %jit3A_227 = arith.constant 5 : i32
      %broadcast_in_dim3A_228 = vector.broadcast %jit3A_227 : i32 to vector<16xi32>
      %select_n3A_229 = arith.select %gt3A_225, %broadcast_in_dim3A_228, %select_n3A_218 : vector<16xi1>, vector<16xi32>
      %eq3A_230 = arith.constant 6 : i32
      %eq3A_231 = vector.broadcast %eq3A_230 : i32 to vector<16xi32>
      %eq3A_232 = arith.cmpi eq, %select_n3A_160, %eq3A_231 : vector<16xi32>
      %jit3A_233 = arith.constant 0xFF800000 : f32
      %broadcast_in_dim3A_234 = vector.broadcast %jit3A_233 : f32 to vector<16xf32>
      %select_n3A_235 = arith.select %eq3A_232, %broadcast_in_dim3A_234, %get3A_42 : vector<16xi1>, vector<16xf32>
      %gt3A_236 = arith.cmpf ogt, %select_n3A_235, %select_n3A_226 : vector<16xf32>
      %select_n3A_237 = arith.select %gt3A_236, %select_n3A_235, %select_n3A_226 : vector<16xi1>, vector<16xf32>
      %jit3A_238 = arith.constant 6 : i32
      %broadcast_in_dim3A_239 = vector.broadcast %jit3A_238 : i32 to vector<16xi32>
      %select_n3A_240 = arith.select %gt3A_236, %broadcast_in_dim3A_239, %select_n3A_229 : vector<16xi1>, vector<16xi32>
      %eq3A_241 = arith.constant 7 : i32
      %eq3A_242 = vector.broadcast %eq3A_241 : i32 to vector<16xi32>
      %eq3A_243 = arith.cmpi eq, %select_n3A_160, %eq3A_242 : vector<16xi32>
      %jit3A_244 = arith.constant 0xFF800000 : f32
      %broadcast_in_dim3A_245 = vector.broadcast %jit3A_244 : f32 to vector<16xf32>
      %select_n3A_246 = arith.select %eq3A_243, %broadcast_in_dim3A_245, %get3A_47 : vector<16xi1>, vector<16xf32>
      %gt3A_247 = arith.cmpf ogt, %select_n3A_246, %select_n3A_237 : vector<16xf32>
      %select_n3A_248 = arith.select %gt3A_247, %select_n3A_246, %select_n3A_237 : vector<16xi1>, vector<16xf32>
      %jit3A_249 = arith.constant 7 : i32
      %broadcast_in_dim3A_250 = vector.broadcast %jit3A_249 : i32 to vector<16xi32>
      %select_n3A_251 = arith.select %gt3A_247, %broadcast_in_dim3A_250, %select_n3A_240 : vector<16xi1>, vector<16xi32>
      %eq3A_252 = arith.constant 8 : i32
      %eq3A_253 = vector.broadcast %eq3A_252 : i32 to vector<16xi32>
      %eq3A_254 = arith.cmpi eq, %select_n3A_160, %eq3A_253 : vector<16xi32>
      %jit3A_255 = arith.constant 0xFF800000 : f32
      %broadcast_in_dim3A_256 = vector.broadcast %jit3A_255 : f32 to vector<16xf32>
      %select_n3A_257 = arith.select %eq3A_254, %broadcast_in_dim3A_256, %get3A_52 : vector<16xi1>, vector<16xf32>
      %gt3A_258 = arith.cmpf ogt, %select_n3A_257, %select_n3A_248 : vector<16xf32>
      %select_n3A_259 = arith.select %gt3A_258, %select_n3A_257, %select_n3A_248 : vector<16xi1>, vector<16xf32>
      %jit3A_260 = arith.constant 8 : i32
      %broadcast_in_dim3A_261 = vector.broadcast %jit3A_260 : i32 to vector<16xi32>
      %select_n3A_262 = arith.select %gt3A_258, %broadcast_in_dim3A_261, %select_n3A_251 : vector<16xi1>, vector<16xi32>
      %eq3A_263 = arith.constant 9 : i32
      %eq3A_264 = vector.broadcast %eq3A_263 : i32 to vector<16xi32>
      %eq3A_265 = arith.cmpi eq, %select_n3A_160, %eq3A_264 : vector<16xi32>
      %jit3A_266 = arith.constant 0xFF800000 : f32
      %broadcast_in_dim3A_267 = vector.broadcast %jit3A_266 : f32 to vector<16xf32>
      %select_n3A_268 = arith.select %eq3A_265, %broadcast_in_dim3A_267, %get3A_57 : vector<16xi1>, vector<16xf32>
      %gt3A_269 = arith.cmpf ogt, %select_n3A_268, %select_n3A_259 : vector<16xf32>
      %select_n3A_270 = arith.select %gt3A_269, %select_n3A_268, %select_n3A_259 : vector<16xi1>, vector<16xf32>
      %jit3A_271 = arith.constant 9 : i32
      %broadcast_in_dim3A_272 = vector.broadcast %jit3A_271 : i32 to vector<16xi32>
      %select_n3A_273 = arith.select %gt3A_269, %broadcast_in_dim3A_272, %select_n3A_262 : vector<16xi1>, vector<16xi32>
      %eq3A_274 = arith.constant 10 : i32
      %eq3A_275 = vector.broadcast %eq3A_274 : i32 to vector<16xi32>
      %eq3A_276 = arith.cmpi eq, %select_n3A_160, %eq3A_275 : vector<16xi32>
      %jit3A_277 = arith.constant 0xFF800000 : f32
      %broadcast_in_dim3A_278 = vector.broadcast %jit3A_277 : f32 to vector<16xf32>
      %select_n3A_279 = arith.select %eq3A_276, %broadcast_in_dim3A_278, %get3A_62 : vector<16xi1>, vector<16xf32>
      %gt3A_280 = arith.cmpf ogt, %select_n3A_279, %select_n3A_270 : vector<16xf32>
      %select_n3A_281 = arith.select %gt3A_280, %select_n3A_279, %select_n3A_270 : vector<16xi1>, vector<16xf32>
      %jit3A_282 = arith.constant 10 : i32
      %broadcast_in_dim3A_283 = vector.broadcast %jit3A_282 : i32 to vector<16xi32>
      %select_n3A_284 = arith.select %gt3A_280, %broadcast_in_dim3A_283, %select_n3A_273 : vector<16xi1>, vector<16xi32>
      %eq3A_285 = arith.constant 11 : i32
      %eq3A_286 = vector.broadcast %eq3A_285 : i32 to vector<16xi32>
      %eq3A_287 = arith.cmpi eq, %select_n3A_160, %eq3A_286 : vector<16xi32>
      %jit3A_288 = arith.constant 0xFF800000 : f32
      %broadcast_in_dim3A_289 = vector.broadcast %jit3A_288 : f32 to vector<16xf32>
      %select_n3A_290 = arith.select %eq3A_287, %broadcast_in_dim3A_289, %get3A_67 : vector<16xi1>, vector<16xf32>
      %gt3A_291 = arith.cmpf ogt, %select_n3A_290, %select_n3A_281 : vector<16xf32>
      %select_n3A_292 = arith.select %gt3A_291, %select_n3A_290, %select_n3A_281 : vector<16xi1>, vector<16xf32>
      %jit3A_293 = arith.constant 11 : i32
      %broadcast_in_dim3A_294 = vector.broadcast %jit3A_293 : i32 to vector<16xi32>
      %select_n3A_295 = arith.select %gt3A_291, %broadcast_in_dim3A_294, %select_n3A_284 : vector<16xi1>, vector<16xi32>
      %eq3A_296 = arith.constant 12 : i32
      %eq3A_297 = vector.broadcast %eq3A_296 : i32 to vector<16xi32>
      %eq3A_298 = arith.cmpi eq, %select_n3A_160, %eq3A_297 : vector<16xi32>
      %jit3A_299 = arith.constant 0xFF800000 : f32
      %broadcast_in_dim3A_300 = vector.broadcast %jit3A_299 : f32 to vector<16xf32>
      %select_n3A_301 = arith.select %eq3A_298, %broadcast_in_dim3A_300, %get3A_72 : vector<16xi1>, vector<16xf32>
      %gt3A_302 = arith.cmpf ogt, %select_n3A_301, %select_n3A_292 : vector<16xf32>
      %select_n3A_303 = arith.select %gt3A_302, %select_n3A_301, %select_n3A_292 : vector<16xi1>, vector<16xf32>
      %jit3A_304 = arith.constant 12 : i32
      %broadcast_in_dim3A_305 = vector.broadcast %jit3A_304 : i32 to vector<16xi32>
      %select_n3A_306 = arith.select %gt3A_302, %broadcast_in_dim3A_305, %select_n3A_295 : vector<16xi1>, vector<16xi32>
      %eq3A_307 = arith.constant 13 : i32
      %eq3A_308 = vector.broadcast %eq3A_307 : i32 to vector<16xi32>
      %eq3A_309 = arith.cmpi eq, %select_n3A_160, %eq3A_308 : vector<16xi32>
      %jit3A_310 = arith.constant 0xFF800000 : f32
      %broadcast_in_dim3A_311 = vector.broadcast %jit3A_310 : f32 to vector<16xf32>
      %select_n3A_312 = arith.select %eq3A_309, %broadcast_in_dim3A_311, %get3A_77 : vector<16xi1>, vector<16xf32>
      %gt3A_313 = arith.cmpf ogt, %select_n3A_312, %select_n3A_303 : vector<16xf32>
      %select_n3A_314 = arith.select %gt3A_313, %select_n3A_312, %select_n3A_303 : vector<16xi1>, vector<16xf32>
      %jit3A_315 = arith.constant 13 : i32
      %broadcast_in_dim3A_316 = vector.broadcast %jit3A_315 : i32 to vector<16xi32>
      %select_n3A_317 = arith.select %gt3A_313, %broadcast_in_dim3A_316, %select_n3A_306 : vector<16xi1>, vector<16xi32>
      %eq3A_318 = arith.constant 14 : i32
      %eq3A_319 = vector.broadcast %eq3A_318 : i32 to vector<16xi32>
      %eq3A_320 = arith.cmpi eq, %select_n3A_160, %eq3A_319 : vector<16xi32>
      %jit3A_321 = arith.constant 0xFF800000 : f32
      %broadcast_in_dim3A_322 = vector.broadcast %jit3A_321 : f32 to vector<16xf32>
      %select_n3A_323 = arith.select %eq3A_320, %broadcast_in_dim3A_322, %get3A_82 : vector<16xi1>, vector<16xf32>
      %gt3A_324 = arith.cmpf ogt, %select_n3A_323, %select_n3A_314 : vector<16xf32>
      %select_n3A_325 = arith.select %gt3A_324, %select_n3A_323, %select_n3A_314 : vector<16xi1>, vector<16xf32>
      %jit3A_326 = arith.constant 14 : i32
      %broadcast_in_dim3A_327 = vector.broadcast %jit3A_326 : i32 to vector<16xi32>
      %select_n3A_328 = arith.select %gt3A_324, %broadcast_in_dim3A_327, %select_n3A_317 : vector<16xi1>, vector<16xi32>
      %eq3A_329 = arith.constant 15 : i32
      %eq3A_330 = vector.broadcast %eq3A_329 : i32 to vector<16xi32>
      %eq3A_331 = arith.cmpi eq, %select_n3A_160, %eq3A_330 : vector<16xi32>
      %jit3A_332 = arith.constant 0xFF800000 : f32
      %broadcast_in_dim3A_333 = vector.broadcast %jit3A_332 : f32 to vector<16xf32>
      %select_n3A_334 = arith.select %eq3A_331, %broadcast_in_dim3A_333, %get3A_87 : vector<16xi1>, vector<16xf32>
      %gt3A_335 = arith.cmpf ogt, %select_n3A_334, %select_n3A_325 : vector<16xf32>
      %select_n3A_336 = arith.select %gt3A_335, %select_n3A_334, %select_n3A_325 : vector<16xi1>, vector<16xf32>
      %jit3A_337 = arith.constant 15 : i32
      %broadcast_in_dim3A_338 = vector.broadcast %jit3A_337 : i32 to vector<16xi32>
      %select_n3A_339 = arith.select %gt3A_335, %broadcast_in_dim3A_338, %select_n3A_328 : vector<16xi1>, vector<16xi32>
      %sub3A = arith.subf %select_n3A_336, %select_n3A_157 : vector<16xf32>
      %exp3A = math.exp %sub3A : vector<16xf32>
      %add3A_340 = arith.constant 1.000000e+00 : f32
      %add3A_341 = vector.broadcast %add3A_340 : f32 to vector<16xf32>
      %add3A_342 = arith.addf %add3A_341, %exp3A : vector<16xf32>
      %div3A = arith.constant 1.000000e+00 : f32
      %div3A_343 = vector.broadcast %div3A : f32 to vector<16xf32>
      %div3A_344 = arith.divf %div3A_343, %add3A_342 : vector<16xf32>
      %swap3A = arith.constant 0 : i32
      %swap3A_345 = arith.index_cast %swap3A : i32 to index
      %swap3A_346 = arith.index_cast %mul3A_8 : i32 to index
      %swap3A_347 = tpu.vector_load %arg6[%swap3A_345, %swap3A_346] {strides = array<i32>} : memref<2x256xf32, #tpu.memory_space<vmem>>, vector<1x16xf32>,
      %swap3A_348 = vector.shape_cast %swap3A_347 : vector<1x16xf32> to vector<16xf32>
      %swap3A_349 = vector.shape_cast %div3A_344 : vector<16xf32> to vector<1x16xf32>
      tpu.vector_store %arg6[%swap3A_345, %swap3A_346], %swap3A_349 {strides = array<i32>} : memref<2x256xf32, #tpu.memory_space<vmem>>, vector<1x16xf32>,
      %div3A_350 = arith.divf %exp3A, %add3A_342 : vector<16xf32>
      %swap3A_351 = arith.constant 1 : i32
      %swap3A_352 = arith.index_cast %swap3A_351 : i32 to index
      %swap3A_353 = arith.index_cast %mul3A_8 : i32 to index
      %swap3A_354 = tpu.vector_load %arg6[%swap3A_352, %swap3A_353] {strides = array<i32>} : memref<2x256xf32, #tpu.memory_space<vmem>>, vector<1x16xf32>,
      %swap3A_355 = vector.shape_cast %swap3A_354 : vector<1x16xf32> to vector<16xf32>
      %swap3A_356 = vector.shape_cast %div3A_350 : vector<16xf32> to vector<1x16xf32>
      tpu.vector_store %arg6[%swap3A_352, %swap3A_353], %swap3A_356 {strides = array<i32>} : memref<2x256xf32, #tpu.memory_space<vmem>>, vector<1x16xf32>,
      %swap3A_357 = arith.constant 0 : i32
      %swap3A_358 = arith.index_cast %swap3A_357 : i32 to index
      %swap3A_359 = arith.index_cast %mul3A_8 : i32 to index
      %swap3A_360 = tpu.vector_load %arg7[%swap3A_358, %swap3A_359] {strides = array<i32>} : memref<2x256xi32, #tpu.memory_space<vmem>>, vector<1x16xi32>,
      %swap3A_361 = vector.shape_cast %swap3A_360 : vector<1x16xi32> to vector<16xi32>
      %swap3A_362 = vector.shape_cast %select_n3A_160 : vector<16xi32> to vector<1x16xi32>
      tpu.vector_store %arg7[%swap3A_358, %swap3A_359], %swap3A_362 {strides = array<i32>} : memref<2x256xi32, #tpu.memory_space<vmem>>, vector<1x16xi32>,
      %swap3A_363 = arith.constant 1 : i32
      %swap3A_364 = arith.index_cast %swap3A_363 : i32 to index
      %swap3A_365 = arith.index_cast %mul3A_8 : i32 to index
      %swap3A_366 = tpu.vector_load %arg7[%swap3A_364, %swap3A_365] {strides = array<i32>} : memref<2x256xi32, #tpu.memory_space<vmem>>, vector<1x16xi32>,
      %swap3A_367 = vector.shape_cast %swap3A_366 : vector<1x16xi32> to vector<16xi32>
      %swap3A_368 = vector.shape_cast %select_n3A_339 : vector<16xi32> to vector<1x16xi32>
      tpu.vector_store %arg7[%swap3A_364, %swap3A_365], %swap3A_368 {strides = array<i32>} : memref<2x256xi32, #tpu.memory_space<vmem>>, vector<1x16xi32>,
    }
    %scan3A_5 = arith.constant 16 : i32
    "tpu.region"() ({
      %run_scoped3A = tpu.sem_alloc : memref<!tpu.dma_semaphore, #tpu.memory_space<semaphore_mem>>
      %dma_start3A = arith.constant 0 : i32
      %dma_start3A_6 = arith.constant 0 : i32
      %dma_start3A_7 = tpu.memref_slice %arg3[%add3A, %dma_start3A, %dma_start3A_6] : memref<32x2x256xf32, #tpu.memory_space<hbm>> -> memref<1x2x256xf32, #tpu.memory_space<hbm>>
      %dma_start3A_8 = tpu.memref_squeeze %dma_start3A_7 : memref<1x2x256xf32, #tpu.memory_space<hbm>> -> memref<2x256xf32, #tpu.memory_space<hbm>>
      %dma_start3A_9 = arith.constant 0 : i32
      %dma_start3A_10 = arith.constant 0 : i32
      %dma_start3A_11 = tpu.memref_slice %arg3[%add3A, %dma_start3A_9, %dma_start3A_10] : memref<32x2x256xf32, #tpu.memory_space<hbm>> -> memref<1x2x256xf32, #tpu.memory_space<hbm>>
      %dma_start3A_12 = tpu.memref_squeeze %dma_start3A_11 : memref<1x2x256xf32, #tpu.memory_space<hbm>> -> memref<2x256xf32, #tpu.memory_space<hbm>>
      tpu.enqueue_dma source(%arg6 : memref<2x256xf32, #tpu.memory_space<vmem>>) target(%dma_start3A_12 : memref<2x256xf32, #tpu.memory_space<hbm>>) target_semaphore(%run_scoped3A : memref<!tpu.dma_semaphore, #tpu.memory_space<semaphore_mem>>)
      %dma_wait3A = arith.constant 0 : i32
      %dma_wait3A_13 = arith.constant 0 : i32
      %dma_wait3A_14 = tpu.memref_slice %arg3[%add3A, %dma_wait3A, %dma_wait3A_13] : memref<32x2x256xf32, #tpu.memory_space<hbm>> -> memref<1x2x256xf32, #tpu.memory_space<hbm>>
      %dma_wait3A_15 = tpu.memref_squeeze %dma_wait3A_14 : memref<1x2x256xf32, #tpu.memory_space<hbm>> -> memref<2x256xf32, #tpu.memory_space<hbm>>
      %dma_wait3A_16 = arith.constant 0 : i32
      %dma_wait3A_17 = arith.constant 0 : i32
      %dma_wait3A_18 = tpu.memref_slice %arg3[%add3A, %dma_wait3A_16, %dma_wait3A_17] : memref<32x2x256xf32, #tpu.memory_space<hbm>> -> memref<1x2x256xf32, #tpu.memory_space<hbm>>
      %dma_wait3A_19 = tpu.memref_squeeze %dma_wait3A_18 : memref<1x2x256xf32, #tpu.memory_space<hbm>> -> memref<2x256xf32, #tpu.memory_space<hbm>>
      tpu.wait_dma2 semaphore(%run_scoped3A : memref<!tpu.dma_semaphore, #tpu.memory_space<semaphore_mem>>) src(%arg6 : memref<2x256xf32, #tpu.memory_space<vmem>>) dst(%dma_wait3A_19 : memref<2x256xf32, #tpu.memory_space<hbm>>)
      tpu.yield
    }) : () -> ()
    "tpu.region"() ({
      %run_scoped3A = tpu.sem_alloc : memref<!tpu.dma_semaphore, #tpu.memory_space<semaphore_mem>>
      %dma_start3A = arith.constant 0 : i32
      %dma_start3A_6 = arith.constant 0 : i32
      %dma_start3A_7 = tpu.memref_slice %arg4[%add3A, %dma_start3A, %dma_start3A_6] : memref<32x2x256xi32, #tpu.memory_space<hbm>> -> memref<1x2x256xi32, #tpu.memory_space<hbm>>
      %dma_start3A_8 = tpu.memref_squeeze %dma_start3A_7 : memref<1x2x256xi32, #tpu.memory_space<hbm>> -> memref<2x256xi32, #tpu.memory_space<hbm>>
      %dma_start3A_9 = arith.constant 0 : i32
      %dma_start3A_10 = arith.constant 0 : i32
      %dma_start3A_11 = tpu.memref_slice %arg4[%add3A, %dma_start3A_9, %dma_start3A_10] : memref<32x2x256xi32, #tpu.memory_space<hbm>> -> memref<1x2x256xi32, #tpu.memory_space<hbm>>
      %dma_start3A_12 = tpu.memref_squeeze %dma_start3A_11 : memref<1x2x256xi32, #tpu.memory_space<hbm>> -> memref<2x256xi32, #tpu.memory_space<hbm>>
      tpu.enqueue_dma source(%arg7 : memref<2x256xi32, #tpu.memory_space<vmem>>) target(%dma_start3A_12 : memref<2x256xi32, #tpu.memory_space<hbm>>) target_semaphore(%run_scoped3A : memref<!tpu.dma_semaphore, #tpu.memory_space<semaphore_mem>>)
      %dma_wait3A = arith.constant 0 : i32
      %dma_wait3A_13 = arith.constant 0 : i32
      %dma_wait3A_14 = tpu.memref_slice %arg4[%add3A, %dma_wait3A, %dma_wait3A_13] : memref<32x2x256xi32, #tpu.memory_space<hbm>> -> memref<1x2x256xi32, #tpu.memory_space<hbm>>
      %dma_wait3A_15 = tpu.memref_squeeze %dma_wait3A_14 : memref<1x2x256xi32, #tpu.memory_space<hbm>> -> memref<2x256xi32, #tpu.memory_space<hbm>>
      %dma_wait3A_16 = arith.constant 0 : i32
      %dma_wait3A_17 = arith.constant 0 : i32
      %dma_wait3A_18 = tpu.memref_slice %arg4[%add3A, %dma_wait3A_16, %dma_wait3A_17] : memref<32x2x256xi32, #tpu.memory_space<hbm>> -> memref<1x2x256xi32, #tpu.memory_space<hbm>>
      %dma_wait3A_19 = tpu.memref_squeeze %dma_wait3A_18 : memref<1x2x256xi32, #tpu.memory_space<hbm>> -> memref<2x256xi32, #tpu.memory_space<hbm>>
      tpu.wait_dma2 semaphore(%run_scoped3A : memref<!tpu.dma_semaphore, #tpu.memory_space<semaphore_mem>>) src(%arg7 : memref<2x256xi32, #tpu.memory_space<vmem>>) dst(%dma_wait3A_19 : memref<2x256xi32, #tpu.memory_space<hbm>>)
      tpu.yield
    }) : () -> ()
    return
  }
}

module attributes {stable_mosaic.version = 14 : i64} {
  func.func @_noisy_logits_body(%arg0: i32, %arg1: memref<1024x2048xf32, #tpu.memory_space<vmem>>, %arg2: memref<2048x32xf32, #tpu.memory_space<vmem>>, %arg3: memref<16x1024xf32, #tpu.memory_space<vmem>>, %arg4: memref<4x16x256xf32, #tpu.memory_space<vmem>>) attributes {dimension_semantics = [#tpu.dimension_semantics<parallel>], iteration_bounds = array<i64: 8>, scalar_prefetch = 0 : i64, scratch_operands = 0 : i64, tpu.core_type = #tpu.core_type<tc>, window_params = [{transform_indices = @transform_0, window_bounds = array<i64: 1024, 2048>}, {pipeline_mode = #tpu.pipeline_mode<synchronous>, transform_indices = @transform_1, window_bounds = array<i64: 2048, 32>}, {transform_indices = @transform_2, window_bounds = array<i64: 16, 1024>}, {transform_indices = @transform_3, window_bounds = array<i64: 4, 16, 256>}]} {
    %get3A = arith.constant 0 : index
    %get3A_0 = arith.constant 0 : index
    %get3A_1 = vector.load %arg2[%get3A, %get3A_0] : memref<2048x32xf32, #tpu.memory_space<vmem>>, vector<2048x32xf32>
    %get3A_2 = arith.constant 0 : index
    %get3A_3 = arith.constant 0 : index
    %get3A_4 = vector.load %arg1[%get3A_2, %get3A_3] : memref<1024x2048xf32, #tpu.memory_space<vmem>>, vector<1024x2048xf32>
    %dot_general3A = arith.constant dense<0.000000e+00> : vector<32x1024xf32>
    %dot_general3A_5 = tpu.matmul %get3A_1, %get3A_4, %dot_general3A {dimension_numbers = #tpu.dot_dimension_numbers<[0], [1], [1], [0], [0, 1, 1, 0], [], []>, transpose_lhs_hint = false} : vector<2048x32xf32>, vector<1024x2048xf32>, vector<32x1024xf32> -> vector<32x1024xf32>
    %slice3A = vector.extract_strided_slice %dot_general3A_5 {offsets = [0, 0], sizes = [16, 1024], strides = [1, 1]} : vector<32x1024xf32> to vector<16x1024xf32>
    %slice3A_6 = vector.extract_strided_slice %dot_general3A_5 {offsets = [16, 0], sizes = [16, 1024], strides = [1, 1]} : vector<32x1024xf32> to vector<16x1024xf32>
    %max3A = arith.constant 0.000000e+00 : f32
    %max3A_7 = vector.broadcast %max3A : f32 to vector<16x1024xf32>
    %max3A_8 = arith.maximumf %slice3A_6, %max3A_7 : vector<16x1024xf32>
    %abs3A = math.absf %slice3A_6 : vector<16x1024xf32>
    %neg3A = arith.constant 0.000000e+00 : f32
    %neg3A_9 = vector.broadcast %neg3A : f32 to vector<16x1024xf32>
    %neg3A_10 = arith.subf %neg3A_9, %abs3A : vector<16x1024xf32>
    %exp3A = math.exp %neg3A_10 : vector<16x1024xf32>
    %log1p3A = math.log1p %exp3A : vector<16x1024xf32>
    %add3A = arith.addf %max3A_8, %log1p3A : vector<16x1024xf32>
    %min3A = arith.constant 1.000000e+01 : f32
    %min3A_11 = vector.broadcast %min3A : f32 to vector<16x1024xf32>
    %min3A_12 = arith.minimumf %add3A, %min3A_11 : vector<16x1024xf32>
    %get3A_13 = arith.constant 0 : index
    %get3A_14 = arith.constant 0 : index
    %get3A_15 = vector.load %arg3[%get3A_13, %get3A_14] : memref<16x1024xf32, #tpu.memory_space<vmem>>, vector<16x1024xf32>
    %mul3A = arith.mulf %get3A_15, %min3A_12 : vector<16x1024xf32>
    %add3A_16 = arith.addf %slice3A, %mul3A : vector<16x1024xf32>
    %slice3A_17 = vector.extract_strided_slice %add3A_16 {offsets = [0, 0], sizes = [16, 256], strides = [1, 1]} : vector<16x1024xf32> to vector<16x256xf32>
    %swap3A = arith.constant 0 : index
    %swap3A_18 = arith.constant 0 : index
    %swap3A_19 = arith.constant 0 : index
    %swap3A_20 = vector.load %arg4[%swap3A, %swap3A_18, %swap3A_19] : memref<4x16x256xf32, #tpu.memory_space<vmem>>, vector<1x16x256xf32>
    %swap3A_21 = vector.shape_cast %swap3A_20 : vector<1x16x256xf32> to vector<16x256xf32>
    %swap3A_22 = vector.shape_cast %slice3A_17 : vector<16x256xf32> to vector<1x16x256xf32>
    tpu.vector_store %arg4[%swap3A, %swap3A_18, %swap3A_19], %swap3A_22 {strides = array<i32>} : memref<4x16x256xf32, #tpu.memory_space<vmem>>, vector<1x16x256xf32>,
    %slice3A_23 = vector.extract_strided_slice %add3A_16 {offsets = [0, 256], sizes = [16, 256], strides = [1, 1]} : vector<16x1024xf32> to vector<16x256xf32>
    %swap3A_24 = arith.constant 1 : index
    %swap3A_25 = arith.constant 0 : index
    %swap3A_26 = arith.constant 0 : index
    %swap3A_27 = vector.load %arg4[%swap3A_24, %swap3A_25, %swap3A_26] : memref<4x16x256xf32, #tpu.memory_space<vmem>>, vector<1x16x256xf32>
    %swap3A_28 = vector.shape_cast %swap3A_27 : vector<1x16x256xf32> to vector<16x256xf32>
    %swap3A_29 = vector.shape_cast %slice3A_23 : vector<16x256xf32> to vector<1x16x256xf32>
    tpu.vector_store %arg4[%swap3A_24, %swap3A_25, %swap3A_26], %swap3A_29 {strides = array<i32>} : memref<4x16x256xf32, #tpu.memory_space<vmem>>, vector<1x16x256xf32>,
    %slice3A_30 = vector.extract_strided_slice %add3A_16 {offsets = [0, 512], sizes = [16, 256], strides = [1, 1]} : vector<16x1024xf32> to vector<16x256xf32>
    %swap3A_31 = arith.constant 2 : index
    %swap3A_32 = arith.constant 0 : index
    %swap3A_33 = arith.constant 0 : index
    %swap3A_34 = vector.load %arg4[%swap3A_31, %swap3A_32, %swap3A_33] : memref<4x16x256xf32, #tpu.memory_space<vmem>>, vector<1x16x256xf32>
    %swap3A_35 = vector.shape_cast %swap3A_34 : vector<1x16x256xf32> to vector<16x256xf32>
    %swap3A_36 = vector.shape_cast %slice3A_30 : vector<16x256xf32> to vector<1x16x256xf32>
    tpu.vector_store %arg4[%swap3A_31, %swap3A_32, %swap3A_33], %swap3A_36 {strides = array<i32>} : memref<4x16x256xf32, #tpu.memory_space<vmem>>, vector<1x16x256xf32>,
    %slice3A_37 = vector.extract_strided_slice %add3A_16 {offsets = [0, 768], sizes = [16, 256], strides = [1, 1]} : vector<16x1024xf32> to vector<16x256xf32>
    %swap3A_38 = arith.constant 3 : index
    %swap3A_39 = arith.constant 0 : index
    %swap3A_40 = arith.constant 0 : index
    %swap3A_41 = vector.load %arg4[%swap3A_38, %swap3A_39, %swap3A_40] : memref<4x16x256xf32, #tpu.memory_space<vmem>>, vector<1x16x256xf32>
    %swap3A_42 = vector.shape_cast %swap3A_41 : vector<1x16x256xf32> to vector<16x256xf32>
    %swap3A_43 = vector.shape_cast %slice3A_37 : vector<16x256xf32> to vector<1x16x256xf32>
    tpu.vector_store %arg4[%swap3A_38, %swap3A_39, %swap3A_40], %swap3A_43 {strides = array<i32>} : memref<4x16x256xf32, #tpu.memory_space<vmem>>, vector<1x16x256xf32>,
    return
  }
  func.func @transform_0(%arg0: i32) -> (i32, i32) {
    %c0_i32 = arith.constant 0 : i32
    %c0_i32_0 = arith.constant 0 : i32
    return %arg0, %c0_i32 : i32, i32
  }
  func.func @transform_1(%arg0: i32) -> (i32, i32) {
    %c0_i32 = arith.constant 0 : i32
    %c0_i32_0 = arith.constant 0 : i32
    %c0_i32_1 = arith.constant 0 : i32
    return %c0_i32, %c0_i32_0 : i32, i32
  }
  func.func @transform_2(%arg0: i32) -> (i32, i32) {
    %c0_i32 = arith.constant 0 : i32
    %c0_i32_0 = arith.constant 0 : i32
    return %c0_i32, %arg0 : i32, i32
  }
  func.func @transform_3(%arg0: i32) -> (i32, i32, i32) {
    %c0_i32 = arith.constant 0 : i32
    %c0_i32_0 = arith.constant 0 : i32
    %c0_i32_1 = arith.constant 0 : i32
    return %arg0, %c0_i32, %c0_i32_0 : i32, i32, i32
  }
}

</mosaic_0001>

<sc_bundles>
// kernel: kernel.4.cloned.1.call-start
scs
__scs_entry_jumppad:
0x0: {  	(pc) =	sbr.rel $0x88, $3  }
0x1: {  	(tag) =	ssettag $0x0;
	lr =	simm.s32 $0x1  }
0x2: {  	[smem:$0x3F9E] =	sst lr;
	_ =	strace $0xD0000000  }
0x3: {  	_ = 	snop  }
0x4: {  	_ = 	snop  }
0x5: {  	_ = 	snop  }
0x6: {  	_ = 	snop  }
0x7: {  	_ = 	snop  }
__scs_overlays_trampoline_lowered:
0x8: {  	[smem:$0x3FAD] =	sst s0  }
0x9: {  	[smem:$0x3FAE] =	sst s1  }
0xa: {  	[smem:$0x3FAF] =	sst s2  }
0xb: {  	[smem:$0x3FB0] =	sst s3  }
0xc: {  	[smem:$0x3FB1] =	sst s4  }
0xd: {  	[smem:$0x3FB2] =	sst s5  }
0xe: {  	[smem:$0x3FB3] =	sst s6  }
0xf: {  	[smem:$0x3FB4] =	sst s7  }
0x10: {  	[smem:$0x3FB5] =	sst s8  }
0x11: {  	[smem:$0x3FB6] =	sst s9;
	s0 =	simm.s32 @!p0 $0x0  }
0x12: {  	s1 =	sld [smem:$0x3F9C];
	s0 =	simm.s32 @p0 $0x1  }
0x13: {  	[smem:$0x3FB7] =	sst s0;
	s0 =	simm.s32 @!p1 $0x0  }
0x14: {  	s2 =	sld [smem:$0x3F9B];
	s0 =	simm.s32 @p1 $0x1  }
0x15: {  	[smem:$0x3FB8] =	sst s0;
	s0 =	simm.s32 @!p2 $0x0  }
0x16: {  	s3 =	sld [smem:$0x3FDB];
	s0 =	simm.s32 @p2 $0x1  }
0x17: {  	s4 =	simm.s32 $0x1BF5;
	[smem:$0x3FBA] =	sst s0  }
0x18: {  	s0 =	sld [smem:$0x3F9D];
	_ =	swait.ge [sflag:s4], $0x0  }
0x19: {  	s7 =	sld [smem:$0x3F9E]  }
0x1a: {  	s8 =	sadd.s32 $0xFFFFE003, lr  }
0x1b: {  	s9 =	sadd.s32 $0xFFFFFEF7, lr;
	s5 =	simm.s32 $0xFFFFFFFF;
	p2 =	slt.u32 s8, $0xFFFFF086  }
0x1c: {  	p1 =	slt.u32 s9, $0xF7A;
	s5 =	simm.s32 @!p2 $0x0  }
0x1d: {  	s5 =	simm.s32 @p1 $0x1;
	p0 =	seq.s32 s7, s2  }
0x1e: {  	s7 =	smul.u32 @!p0 $0xF7A, s2;
	p2 =	seq.s32 @!p0 s5, $0x0  }
0x1f: {  	s9 =	smul.u32 $0xF7A, s1;
	s8 =	simm.s32 @!p0 $0x1BF5;
	p2 =	por !p2, p0  }
0x20: {  	[sflag:s8] =	ssyncset.s32 @!p0 $0xFFFFF086;
	s6 =	sadd.s32 @!p0 s3, s7;
	s7 =	simm.s32 @!p0 $0x108  }
0x21: {  	s3 =	sadd.s32 s3, s9;
	s6 =	sadd.s32 @!p0 $0x88, s6;
	s7 =	simm.s32 @p2 $0x1082  }
0x22: {  	[simem:s7], [sflag:s8] =	dma.local @!p0 [hbm:s6], $0xF7A  }
0x23: {  	s9 =	sor.u32 $0xD0000000, s2;
	s6 =	simm.s32 $0x108;
	_ =	swait.ge @!p0 [sflag:s8], $0x0  }
0x24: {  	s3 =	sadd.s32 $0x88, s3;
	s6 =	simm.s32 @!p1 $0x1082;
	[sflag:s4] =	ssyncset.s32 $0xFFFFF086  }
0x25: {  	[simem:s6], [sflag:s4] =	dma.local [hbm:s3], $0xF7A  }
0x26: {  	[smem:$0x3F9E] =	sst s1;
	(tag) =	ssettag s2;
	_ =	strace s9  }
0x27: {  	s1 =	sld [smem:$0x3FAE]  }
0x28: {  	s2 =	sld [smem:$0x3FAF]  }
0x29: {  	s4 =	sld [smem:$0x3FB1]  }
0x2a: {  	p0 =	seq.s32 s5, $0x0;
	s5 =	sld [smem:$0x3FB2]  }
0x2b: {  	s6 =	sld [smem:$0x3FB3]  }
0x2c: {  	s7 =	sld [smem:$0x3FB4]  }
0x2d: {  	s3 =	simm.s32 $0x108;
	s8 =	sld [smem:$0x3FB5]  }
0x2e: {  	s3 =	simm.s32 @!p0 $0x1082;
	s9 =	sld [smem:$0x3FB6]  }
0x2f: {  	lr =	sadd.s32 s0, s3;
	s0 =	sld [smem:$0x3FAD]  }
0x30: {  	s3 =	sld [smem:$0x3FB0]  }
0x31: {  	[smem:$0x3FB9] =	sst s10  }
0x32: {  	s10 =	sld [smem:$0x3FB7];
	_ =	sdelay $0x3  }
0x33: {  	p0 =	seq.s32 s10, $0x1;
	s10 =	sld [smem:$0x3FB9];
	_ =	sdelay $0x3  }
0x34: {  	[smem:$0x3FB9] =	sst s10  }
0x35: {  	s10 =	sld [smem:$0x3FB8];
	_ =	sdelay $0x3  }
0x36: {  	p1 =	seq.s32 s10, $0x1;
	s10 =	sld [smem:$0x3FB9];
	_ =	sdelay $0x3  }
0x37: {  	[smem:$0x3FB9] =	sst s10  }
0x38: {  	s10 =	sld [smem:$0x3FBA]  }
0x39: {  	_ = 	snop;
	(pc) =	sbr.ind lr, $3  }
0x3a: {  	_ = 	snop  }
0x3b: {  	_ = 	snop  }
0x3c: {  	p2 =	seq.s32 s10, $0x1;
	s10 =	sld [smem:$0x3FB9]  }
0x3d: {  	_ =	shalt  }
0x3e: {  	_ =	shalt  }
0x3f: {  	_ =	shalt  }
0x40: {  	_ =	shalt  }
0x41: {  	_ =	shalt  }
0x42: {  	_ =	shalt  }
0x43: {  	_ =	shalt  }
0x44: {  	_ =	shalt  }
0x45: {  	_ =	shalt  }
0x46: {  	_ =	shalt  }
0x47: {  	_ =	shalt  }
0x48: {  	_ =	shalt  }
0x49: {  	_ =	shalt  }
0x4a: {  	_ =	shalt  }
0x4b: {  	_ =	shalt  }
0x4c: {  	_ =	shalt  }
0x4d: {  	_ =	shalt  }
0x4e: {  	_ =	shalt  }
0x4f: {  	_ =	shalt  }
0x50: {  	_ =	shalt  }
0x51: {  	_ =	shalt  }
0x52: {  	_ =	shalt  }
0x53: {  	_ =	shalt  }
0x54: {  	_ =	shalt  }
0x55: {  	_ =	shalt  }
0x56: {  	_ =	shalt  }
0x57: {  	_ =	shalt  }
0x58: {  	_ =	shalt  }
0x59: {  	_ =	shalt  }
0x5a: {  	_ =	shalt  }
0x5b: {  	_ =	shalt  }
0x5c: {  	_ =	shalt  }
0x5d: {  	_ =	shalt  }
0x5e: {  	_ =	shalt  }
0x5f: {  	_ =	shalt  }
0x60: {  	_ =	shalt  }
0x61: {  	_ =	shalt  }
0x62: {  	_ =	shalt  }
0x63: {  	_ =	shalt  }
0x64: {  	_ =	shalt  }
0x65: {  	_ =	shalt  }
0x66: {  	_ =	shalt  }
0x67: {  	_ =	shalt  }
0x68: {  	_ =	shalt  }
0x69: {  	_ =	shalt  }
0x6a: {  	_ =	shalt  }
0x6b: {  	_ =	shalt  }
0x6c: {  	_ =	shalt  }
0x6d: {  	_ =	shalt  }
0x6e: {  	_ =	shalt  }
0x6f: {  	_ =	shalt  }
0x70: {  	_ =	shalt  }
0x71: {  	_ =	shalt  }
0x72: {  	_ =	shalt  }
0x73: {  	_ =	shalt  }
0x74: {  	_ =	shalt  }
0x75: {  	_ =	shalt  }
0x76: {  	_ =	shalt  }
0x77: {  	_ =	shalt  }
0x78: {  	_ =	shalt  }
0x79: {  	_ =	shalt  }
0x7a: {  	_ =	shalt  }
0x7b: {  	_ =	shalt  }
0x7c: {  	_ =	shalt  }
0x7d: {  	_ =	shalt  }
0x7e: {  	_ =	shalt  }
0x7f: {  	_ =	shalt  }
0x80: {  	_ =	shalt  }
0x81: {  	_ =	shalt  }
0x82: {  	_ =	shalt  }
0x83: {  	_ =	shalt  }
0x84: {  	_ =	shalt  }
0x85: {  	_ =	shalt  }
0x86: {  	_ =	shalt  }
0x87: {  	_ =	shalt  }
.Lfunc_end0:
.L_simem_size_0:
called_computation_lowered:
.L_overlay_start_0:
0x88: {  	s2 =	sld [smem:$0x3FD9]  }
0x89: {  	s3 =	sld [smem:$0x3FFE];
	_ =	sdelay $0x1  }
0x8a: {  	s1 =	srdreg.scid  }
0x8b: {  	s0 =	sand.u32 $0x1, s1  }
0x8c: {  	s14 =	sshll.u32 s0, $0xA;
	s2 =	sadd.s32 s3, s2  }
0x8d: {  	s2 =	sadd.s32 s2, s14  }
0x8e: {  	[smem:$0x3FC5] =	sst s2  }
0x8f: {  	_ = 	snop  }
0x90: {  	s2 =	sld [smem:$0x3FD0];
	_ =	sdelay $0x2  }
0x91: {  	s15 =	simm.s32 $0xA;
	s4 =	simm.s32 $0x10  }
0x92: {  	[smem:s4], [sflag:s15] =	dma.local [hbm:s2], $0x1  }
0x93: {  	_ =	swait.eq [sflag:s15], $0x1  }
0x94: {  	[sflag:s15] =	ssyncset.done $0x0  }
0x95: {  	s16 =	sld [smem:$0x10];
	[sflag:s15] =	ssyncadd.s32 $0xFFFFFFFF  }
0x96: {  	s17 =	sld [smem:$0x11];
	(tm) =	ssettm $0x1  }
0x97: {  	s18 =	sld [smem:$0x3FFB];
	_ =	sdelay $0x3  }
0x98: {  	_ =	strace s18  }
0x99: {  	s4 =	sld [smem:$0x3FFC];
	_ =	sdelay $0x3  }
0x9a: {  	_ =	strace s4  }
0x9b: {  	s4 =	sld [smem:$0x3FFD];
	_ =	sdelay $0x3  }
0x9c: {  	_ =	strace s4  }
0x9d: {  	_ =	strace $0x8FFFFFFF  }
0x9e: {  	s19 =	sld [smem:$0x3FDB];
	_ =	sdelay $0x1  }
0x9f: {  	s5 =	simm.s32 $_scs_section_size  }
0xa0: {  	s6 =	simm.s32 $_size__tile_overlayer_lowered;
	s7 =	simm.s32 $_tile_overlayer_lowered  }
0xa1: {  	s22 =	simm.s32 $0x1BFF;
	s21 =	sshll.u32 s7, $0x1;
	s4 =	sadd.s32 s5, s19  }
0xa2: {  	s8 =	simm.s32 $0x0;
	s20 =	sshll.u32 s6, $0x1;
	s6 =	sadd.s32 s21, s4  }
0xa3: {  	[timem:s8], [sflag:s22] =	dma.local [hbm:s6], s20  }
0xa4: {  	_ =	swait.ge [sflag:s22], s20  }
0xa5: {  	s5 =	ssub.s32 $0x0, s20;
	[sflag:s22] =	ssyncset.done $0x0  }
0xa6: {  	[sflag:s22] =	ssyncadd.s32 s5;
	_ =	sdelay $0x1  }
0xa7: {  	s23 =	simm.s32 $0x1B8B  }
0xa8: {  	_ =	swait.ge [sflag:s23], $0x1  }
0xa9: {  	[sflag:s23] =	ssyncset.done $0x0  }
0xaa: {  	s25 =	simm.s32 $0x1B8E;
	s24 =	sld [smem:$0x3FFE];
	[sflag:s23] =	ssyncadd.s32 $0xFFFFFFFF  }
0xab: {  	s26 =	simm.s32 $execute0_lowered;
	[smem:$0x3FD2] =	sst s25  }
0xac: {  	s6 =	sshll.u32 s26, $0x1;
	_ =	strace $0x80000046;
	[dreg:$0x1] =	wrdreg $0xFFFFFFFF  }
0xad: {  	s28 =	simm.s32 $_size_execute0_lowered;
	s4 =	sadd.s32 s4, s6;
	[dreg:$0x0] =	wrdreg $0x0  }
0xae: {  	s6 =	sshll.u32 s28, $0x1;
	[dreg:$0x2] =	wrdreg s4  }
0xaf: {  	[dreg:$0x3] =	wrdreg s6  }
0xb0: {  	[dreg:$0x4] =	wrdreg $0xC0  }
0xb1: {  	_ =	task [dreg:s8], $0x5FFFF  }
0xb2: {  	[dreg:$0x1] =	wrdreg $0xFFFFFFFF  }
0xb3: {  	[dreg:$0x0] =	wrdreg $0x60  }
0xb4: {  	[dreg:$0x2] =	wrdreg s24  }
0xb5: {  	[dreg:$0x3] =	wrdreg s16  }
0xb6: {  	[dreg:$0x4] =	wrdreg s17  }
0xb7: {  	[dreg:$0x5] =	wrdreg $0x9  }
0xb8: {  	_ =	task.clear_ibuf [dreg:s8], $0x6FFFF;
	_ =	strace $0x90000046  }
0xb9: {  	s29 =	simm.s32 $0x9;
	_ =	strace $0x80000048  }
0xba: {  	_ =	swait.ge [sflag:s29], $0x1  }
0xbb: {  	[sflag:s29] =	ssyncadd.s32 $0xFFFFFFFF  }
0xbc: {  	_ =	strace $0x90000048  }
0xbd: {  	_ =	sfence  }
0xbe: {  	s30 =	sld [smem:$0x0];
	_ =	sdelay $0x2  }
0xbf: {  	s31 =	sshll.u32 s1, $0xD;
	s1 =	sshrl.u32 s1, $0x2  }
0xc0: {  	s3 =	sand.u32 $0x4000, s31;
	s1 =	sadd.s32 s1, s30  }
0xc1: {  	s0 =	sor.u32 s3, s0;
	s1 =	sshll.u32 s1, $0x11  }
0xc2: {  	s0 =	sor.u32 s1, s0  }
0xc3: {  	s0 =	sadd.s32 $0x8F2B, s0  }
0xc4: {  	[sflag:s0] =	ssyncadd.remote.s32 $0x1  }
0xc5: {  	_ =	sfence.sel $0xFFFF  }
0xc6: {  	[dreg:$0x0] =	wrdreg $0xFFFFFFFF;
	(pc) =	sbr.abs _section_cstart, $3  }
0xc7: {  	[dreg:$0x1] =	wrdreg $0xFFFFFFFF  }
0xc8: {  	_ =	task.clear_ibuf [dreg:s8], $0x2FFFF;
	_ =	strace $0x9FFFFFFF  }
0xc9: {  	(tm) =	ssettm $0x7FFFFFFF  }
tec
execute0_lowered:
.L_overlay_start_1:
0x0: {  	(tag) =	ssettag $0x1  }
0x1: {  	s3 =	rddreg [dreg:$0x0]  }
0x2: {  	s4 =	rddreg [dreg:$0x1]  }
0x3: {  	s5 =	rddreg [dreg:$0x2]  }
0x4: {  	s0 =	rddreg [dreg:$0x3];
	s6 =	srdreg.scid  }
0x5: {  	s1 =	stileid.u32;
	s2 =	simm.s32 $0x0;
	s9 =	simm.s32 $0x1200  }
0x6: {  	s10 =	simm.s32 $0x0;
	s6 =	sand.u32 $0x1, s6;
	s7 =	sshll.u32 s1, $0x1  }
0x7: {  	[smem:$0x7FF] =	sst s2;
	s7 =	sor.u32 s6, s7;
	s6 =	ssub.s32 $0x2, s6  }
0x8: {  	_ =	strace $0x80000047;
	s8 =	sshll.u32 s7, $0x9;
	s31 =	sshrl.u32 s6, $0x1  }
0x9: {  	s7 =	sshll.u32 s7, $0x6;
	s3 =	sadd.s32 s8, s3;
	s6 =	ssub.s32 s6, s31  }
0xa: {  	s4 =	sadd.s32 s4, s7;
	s5 =	sadd.s32 s5, s7;
	s7 =	simm.s32 $0x1  }
0xb: {  	v0 =	vimm.s32 $0x0;
	s8 =	simm.s32 $0x1000;
	s3 =	sadd.s32 $0xC00, s3;
	s6 =	smax.u32 s6, $0x1  }
.LBB2_1:
0xc: {  	[tilespmem:s2], [sflag:$0x1] =	stream.linear.gather [hbm4b:s3+s2], $0x1000, $0x38;
	[tilespmem:$0x1400] =	vst v63  }
0xd: {  	s11 =	simm.s32 $0x0;
	_ =	swait.ge [sflag:s7], $0x1000  }
0xe: {  	s12 =	sand.u32 $0x70, s2;
	s11 =	sand.u32 $0x3FFFFC00, s11;
	[sflag:s7] =	ssyncset.done $0x0  }
0xf: {  	s11 =	sor.u32 s12, s11;
	[sflag:s7] =	ssyncadd.s32 $0xFFFFF000  }
0x10: {  	v2 =	vld [tilespmem:s11+$0x0]  }
0x11: {  	v3 =	vld [tilespmem:s11+$0x80];
	_ =	sdelay $0x1  }
0x12: {  	v4 =	vld [tilespmem:s11+$0x100];
	_ =	sdelay $0x1  }
0x13: {  	v5 =	vld [tilespmem:s11+$0x180]  }
0x14: {  	vm0 =	vgt.f32 v3, v2  }
0x15: {  	v6 =	vld [tilespmem:s11+$0x200];
	v1 =	vsel vm0, v3, v2  }
0x16: {  	vm1 =	vgt.f32 v4, v1  }
0x17: {  	v7 =	vld [tilespmem:s11+$0x280];
	v1 =	vsel vm1, v4, v1  }
0x18: {  	vm2 =	vgt.f32 v5, v1  }
0x19: {  	v8 =	vld [tilespmem:s11+$0x300];
	v1 =	vsel vm2, v5, v1  }
0x1a: {  	vm3 =	vgt.f32 v6, v1  }
0x1b: {  	v9 =	vld [tilespmem:s11+$0x380];
	v1 =	vsel vm3, v6, v1  }
0x1c: {  	vm4 =	vgt.f32 v7, v1  }
0x1d: {  	v10 =	vld [tilespmem:s11+$0x800];
	v1 =	vsel vm4, v7, v1  }
0x1e: {  	vm5 =	vgt.f32 v8, v1  }
0x1f: {  	v11 =	vld [tilespmem:s11+$0x880];
	v1 =	vsel vm5, v8, v1  }
0x20: {  	vm6 =	vgt.f32 v9, v1  }
0x21: {  	v12 =	vld [tilespmem:s11+$0x900];
	v1 =	vsel vm6, v9, v1  }
0x22: {  	vm7 =	vgt.f32 v10, v1  }
0x23: {  	v13 =	vld [tilespmem:s11+$0x980];
	v14 =	vsel vm0, $0x1, v0;
	v1 =	vsel vm7, v10, v1  }
0x24: {  	v14 =	vsel vm1, $0x2, v14;
	vm12 =	vgt.f32 v11, v1  }
0x25: {  	v15 =	vld [tilespmem:s11+$0xA00];
	v14 =	vsel vm2, $0x3, v14;
	v1 =	vsel vm12, v11, v1  }
0x26: {  	v14 =	vsel vm3, $0x4, v14;
	vm13 =	vgt.f32 v12, v1  }
0x27: {  	v16 =	vld [tilespmem:s11+$0xA80];
	v14 =	vsel vm4, $0x5, v14;
	v1 =	vsel vm13, v12, v1  }
0x28: {  	v14 =	vsel vm5, $0x6, v14;
	vm14 =	vgt.f32 v13, v1  }
0x29: {  	v17 =	vld [tilespmem:s11+$0xB00];
	v14 =	vsel vm6, $0x7, v14;
	v1 =	vsel vm14, v13, v1  }
0x2a: {  	v14 =	vsel vm7, $0x8, v14;
	vm15 =	vgt.f32 v15, v1  }
0x2b: {  	v18 =	vld [tilespmem:s11+$0xB80];
	v14 =	vsel vm12, $0x9, v14;
	v1 =	vsel vm15, v15, v1  }
0x2c: {  	v14 =	vsel vm13, $0xA, v14;
	vm5 =	vgt.f32 v16, v1  }
0x2d: {  	v14 =	vsel vm14, $0xB, v14;
	v1 =	vsel vm5, v16, v1  }
0x2e: {  	v14 =	vsel vm15, $0xC, v14;
	vm6 =	vgt.f32 v17, v1  }
0x2f: {  	v14 =	vsel vm5, $0xD, v14;
	v19 =	vsel vm6, v17, v1  }
0x30: {  	v1 =	vsel vm6, $0xE, v14;
	vm0 =	vgt.f32 v18, v19  }
0x31: {  	v1 =	vsel vm0, $0xF, v1  }
0x32: {  	vm7 =	veq.s32 v1, $0x0  }
0x33: {  	v2 =	vsel vm7, $0xFF800000, v2  }
0x34: {  	vm8 =	veq.s32 v1, $0x1;
	vm9 =	vgt.f32 v2, $-Inf  }
0x35: {  	v3 =	vsel vm8, $0xFF800000, v3;
	v2 =	vnsel vm9, $0xFF800000, v2  }
0x36: {  	vm10 =	veq.s32 v1, $0x2;
	vm1 =	vgt.f32 v3, v2  }
0x37: {  	v4 =	vsel vm10, $0xFF800000, v4;
	v2 =	vsel vm1, v3, v2  }
0x38: {  	vm11 =	veq.s32 v1, $0x3;
	vm2 =	vgt.f32 v4, v2  }
0x39: {  	v3 =	vsel vm11, $0xFF800000, v5;
	v2 =	vsel vm2, v4, v2  }
0x3a: {  	vm12 =	veq.s32 v1, $0x4;
	vm3 =	vgt.f32 v3, v2  }
0x3b: {  	v55 =	vsel vm12, $0xFF800000, v6;
	v2 =	vsel vm3, v3, v2  }
0x3c: {  	vm13 =	veq.s32 v1, $0x5;
	vm4 =	vgt.f32 v55, v2  }
0x3d: {  	v3 =	vsel vm13, $0xFF800000, v7;
	v2 =	vsel vm4, v55, v2  }
0x3e: {  	vm14 =	veq.s32 v1, $0x6;
	vm5 =	vgt.f32 v3, v2  }
0x3f: {  	v56 =	vsel vm14, $0xFF800000, v8;
	v2 =	vsel vm5, v3, v2  }
0x40: {  	vm15 =	veq.s32 v1, $0x7;
	vm6 =	vgt.f32 v56, v2  }
0x41: {  	v3 =	vsel vm15, $0xFF800000, v9;
	v2 =	vsel vm6, v56, v2  }
0x42: {  	vm8 =	veq.s32 v1, $0x8;
	vm7 =	vgt.f32 v3, v2  }
0x43: {  	v57 =	vsel vm8, $0xFF800000, v10;
	v2 =	vsel vm7, v3, v2  }
0x44: {  	vm9 =	veq.s32 v1, $0x9;
	vm8 =	vgt.f32 v57, v2  }
0x45: {  	v3 =	vsel vm9, $0xFF800000, v11;
	v2 =	vsel vm8, v57, v2  }
0x46: {  	vm10 =	veq.s32 v1, $0xA;
	vm9 =	vgt.f32 v3, v2  }
0x47: {  	v58 =	vsel vm10, $0xFF800000, v12;
	v2 =	vsel vm9, v3, v2  }
0x48: {  	vm11 =	veq.s32 v1, $0xB;
	vm10 =	vgt.f32 v58, v2  }
0x49: {  	v3 =	vsel vm11, $0xFF800000, v13;
	v2 =	vsel vm10, v58, v2  }
0x4a: {  	vm11 =	veq.s32 v1, $0xC;
	vm13 =	vgt.f32 v3, v2  }
0x4b: {  	v59 =	vsel vm11, $0xFF800000, v15;
	v2 =	vsel vm13, v3, v2  }
0x4c: {  	vm11 =	veq.s32 v1, $0xD;
	vm15 =	vgt.f32 v59, v2  }
0x4d: {  	v3 =	vsel vm11, $0xFF800000, v16;
	v2 =	vsel vm15, v59, v2  }
0x4e: {  	vm11 =	veq.s32 v1, $0xE;
	vm14 =	vgt.f32 v3, v2  }
0x4f: {  	v60 =	vsel vm11, $0xFF800000, v17;
	v2 =	vsel vm14, v3, v2  }
0x50: {  	vm11 =	veq.s32 v1, $0xF;
	vm12 =	vgt.f32 v60, v2  }
0x51: {  	v3 =	vsel vm11, $0xFF800000, v18;
	v2 =	vsel vm12, v60, v2  }
0x52: {  	vm11 =	vgt.f32 v3, v2  }
0x53: {  	v61 =	vsel vm0, v18, v19;
	v2 =	vsel vm11, v3, v2  }
0x54: {  	v2 =	vsub.f32 v2, v61;
	_ =	sdelay $0x1  }
0x55: {  	v2 =	vmul.f32 $1.442695020e+00, v2;
	_ =	sdelay $0x1  }
0x56: {  	(erf) = vpow2.f32 v2;
	_ =	sdelay $0x8  }
0x57: {  	v2 =	vpop (erf)  }
0x58: {  	v3 =	vsel vm1, $0x1, v0;
	v62 =	vadd.f32 $1.000000000e+00, v2  }
0x59: {  	v3 =	vsel vm2, $0x2, v3  }
0x5a: {  	v3 =	vsel vm3, $0x3, v3;
	(erf) = vrcp.f32 v62  }
0x5b: {  	v3 =	vsel vm4, $0x4, v3  }
0x5c: {  	v3 =	vsel vm5, $0x5, v3  }
0x5d: {  	v3 =	vsel vm6, $0x6, v3  }
0x5e: {  	v3 =	vsel vm7, $0x7, v3  }
0x5f: {  	v3 =	vsel vm8, $0x8, v3  }
0x60: {  	v3 =	vsel vm9, $0x9, v3  }
0x61: {  	v3 =	vsel vm10, $0xA, v3  }
0x62: {  	s31 =	simm.s32 $0x0;
	v3 =	vsel vm13, $0xB, v3  }
0x63: {  	s13 =	sand.u32 $0xFFFFFF00, s31;
	v3 =	vsel vm15, $0xC, v3;
	v4 =	vpop (erf)  }
0x64: {  	s18 =	simm.s32 $0x2;
	s17 =	sor.u32 s12, s13;
	s14 =	sor.u32 s13, s2;
	v3 =	vsel vm14, $0xD, v3;
	v63 =	vmul.f32 v4, v2  }
0x65: {  	s20 =	simm.s32 $0x80;
	s19 =	sor.u32 $0x80, s14;
	s11 =	simm.s32 $0x10;
	[tilespmem:s17+$0x1000] =	vst v4;
	v2 =	vsel vm12, $0xE, v3  }
0x66: {  	s13 =	simm.s32 $0x1;
	s14 =	simm.s32 $0x20;
	s12 =	sand.u32 $0x70, s11;
	v2 =	vsel vm11, $0xF, v2;
	[tilespmem:s19+$0x1000] =	vst v63  }
.LBB2_2:
0x67: {  	s16 =	sand.u32 $0x70, s14  }
0x68: {  	s20 =	sand.u32 $0x3FFFFC00, s20;
	[tilespmem:s17+$0x1200] =	vst v1;
	s17 =	smov.u32 s18;
	s15 =	sadd.s32 $0x1, s18  }
0x69: {  	p0 =	sne.s32 s18, $0xF;
	s18 =	sor.u32 s12, s20;
	[tilespmem:s19+$0x1200] =	vst v2  }
0x6a: {  	v2 =	vld [tilespmem:s18+$0x0]  }
0x6b: {  	v3 =	vld [tilespmem:s18+$0x80]  }
0x6c: {  	v4 =	vld [tilespmem:s18+$0x100];
	_ =	sdelay $0x1  }
0x6d: {  	v5 =	vld [tilespmem:s18+$0x180];
	_ =	sdelay $0x1  }
0x6e: {  	v6 =	vld [tilespmem:s18+$0x200];
	vm0 =	vgt.f32 v3, v2  }
0x6f: {  	v1 =	vsel vm0, v3, v2  }
0x70: {  	v7 =	vld [tilespmem:s18+$0x280];
	vm1 =	vgt.f32 v4, v1  }
0x71: {  	v1 =	vsel vm1, v4, v1  }
0x72: {  	v8 =	vld [tilespmem:s18+$0x300];
	vm2 =	vgt.f32 v5, v1  }
0x73: {  	v1 =	vsel vm2, v5, v1  }
0x74: {  	v9 =	vld [tilespmem:s18+$0x380];
	vm3 =	vgt.f32 v6, v1  }
0x75: {  	v1 =	vsel vm3, v6, v1  }
0x76: {  	v10 =	vld [tilespmem:s18+$0x800];
	vm4 =	vgt.f32 v7, v1  }
0x77: {  	v1 =	vsel vm4, v7, v1  }
0x78: {  	v11 =	vld [tilespmem:s18+$0x880];
	vm5 =	vgt.f32 v8, v1  }
0x79: {  	v1 =	vsel vm5, v8, v1  }
0x7a: {  	v12 =	vld [tilespmem:s18+$0x900];
	vm6 =	vgt.f32 v9, v1  }
0x7b: {  	v1 =	vsel vm6, v9, v1  }
0x7c: {  	v14 =	vsel vm0, $0x1, v0;
	v13 =	vld [tilespmem:s18+$0x980];
	vm0 =	vgt.f32 v10, v1  }
0x7d: {  	v14 =	vsel vm1, $0x2, v14;
	v1 =	vsel vm0, v10, v1  }
0x7e: {  	v14 =	vsel vm2, $0x3, v14;
	v15 =	vld [tilespmem:s18+$0xA00];
	vm1 =	vgt.f32 v11, v1  }
0x7f: {  	v14 =	vsel vm3, $0x4, v14;
	v1 =	vsel vm1, v11, v1  }
0x80: {  	v14 =	vsel vm4, $0x5, v14;
	v16 =	vld [tilespmem:s18+$0xA80];
	vm2 =	vgt.f32 v12, v1  }
0x81: {  	v14 =	vsel vm5, $0x6, v14;
	v1 =	vsel vm2, v12, v1  }
0x82: {  	v14 =	vsel vm6, $0x7, v14;
	v17 =	vld [tilespmem:s18+$0xB00];
	vm3 =	vgt.f32 v13, v1  }
0x83: {  	v14 =	vsel vm0, $0x8, v14;
	v1 =	vsel vm3, v13, v1  }
0x84: {  	v14 =	vsel vm1, $0x9, v14;
	v18 =	vld [tilespmem:s18+$0xB80];
	vm0 =	vgt.f32 v15, v1  }
0x85: {  	v14 =	vsel vm2, $0xA, v14;
	v1 =	vsel vm0, v15, v1  }
0x86: {  	v14 =	vsel vm3, $0xB, v14;
	vm1 =	vgt.f32 v16, v1  }
0x87: {  	v14 =	vsel vm0, $0xC, v14;
	v1 =	vsel vm1, v16, v1  }
0x88: {  	v14 =	vsel vm1, $0xD, v14;
	vm0 =	vgt.f32 v17, v1  }
0x89: {  	v1 =	vsel vm0, v17, v1;
	v14 =	vsel vm0, $0xE, v14  }
0x8a: {  	vm0 =	vgt.f32 v18, v1  }
0x8b: {  	v19 =	vsel vm0, v18, v1;
	v1 =	vsel vm0, $0xF, v14  }
0x8c: {  	vm0 =	veq.s32 v1, $0x0;
	vm1 =	veq.s32 v1, $0x1;
	vm2 =	veq.s32 v1, $0x2  }
0x8d: {  	vm3 =	veq.s32 v1, $0x3;
	vm4 =	veq.s32 v1, $0x4;
	v2 =	vsel vm0, $0xFF800000, v2  }
0x8e: {  	vm5 =	veq.s32 v1, $0x5;
	v3 =	vsel vm1, $0xFF800000, v3;
	vm0 =	vgt.f32 v2, $-Inf  }
0x8f: {  	vm15 =	veq.s32 v1, $0x6;
	vm6 =	veq.s32 v1, $0x7;
	v2 =	vnsel vm0, $0xFF800000, v2  }
0x90: {  	vm7 =	veq.s32 v1, $0x8;
	v4 =	vsel vm2, $0xFF800000, v4;
	vm0 =	vgt.f32 v3, v2  }
0x91: {  	vm8 =	veq.s32 v1, $0x9;
	vm9 =	veq.s32 v1, $0xA;
	v2 =	vsel vm0, v3, v2  }
0x92: {  	vm10 =	veq.s32 v1, $0xB;
	v3 =	vsel vm3, $0xFF800000, v5;
	vm1 =	vgt.f32 v4, v2  }
0x93: {  	vm14 =	veq.s32 v1, $0xC;
	vm12 =	veq.s32 v1, $0xD;
	v2 =	vsel vm1, v4, v2  }
0x94: {  	vm11 =	veq.s32 v1, $0xE;
	v4 =	vsel vm4, $0xFF800000, v6;
	vm2 =	vgt.f32 v3, v2  }
0x95: {  	vm13 =	veq.s32 v1, $0xF;
	v2 =	vsel vm2, v3, v2  }
0x96: {  	v3 =	vsel vm5, $0xFF800000, v7;
	vm3 =	vgt.f32 v4, v2  }
0x97: {  	v2 =	vsel vm3, v4, v2  }
0x98: {  	v4 =	vsel vm15, $0xFF800000, v8;
	vm4 =	vgt.f32 v3, v2  }
0x99: {  	v2 =	vsel vm4, v3, v2  }
0x9a: {  	v3 =	vsel vm6, $0xFF800000, v9;
	vm5 =	vgt.f32 v4, v2  }
0x9b: {  	v2 =	vsel vm5, v4, v2  }
0x9c: {  	v4 =	vsel vm7, $0xFF800000, v10;
	vm6 =	vgt.f32 v3, v2  }
0x9d: {  	v2 =	vsel vm6, v3, v2  }
0x9e: {  	v3 =	vsel vm8, $0xFF800000, v11;
	vm7 =	vgt.f32 v4, v2  }
0x9f: {  	v2 =	vsel vm7, v4, v2  }
0xa0: {  	v4 =	vsel vm9, $0xFF800000, v12;
	vm8 =	vgt.f32 v3, v2  }
0xa1: {  	v2 =	vsel vm8, v3, v2  }
0xa2: {  	v3 =	vsel vm10, $0xFF800000, v13;
	vm9 =	vgt.f32 v4, v2  }
0xa3: {  	v2 =	vsel vm9, v4, v2  }
0xa4: {  	v4 =	vsel vm14, $0xFF800000, v15;
	vm10 =	vgt.f32 v3, v2  }
0xa5: {  	v2 =	vsel vm10, v3, v2  }
0xa6: {  	v3 =	vsel vm12, $0xFF800000, v16;
	vm14 =	vgt.f32 v4, v2  }
0xa7: {  	v2 =	vsel vm14, v4, v2  }
0xa8: {  	v4 =	vsel vm11, $0xFF800000, v17;
	vm12 =	vgt.f32 v3, v2  }
0xa9: {  	v2 =	vsel vm12, v3, v2  }
0xaa: {  	v3 =	vsel vm13, $0xFF800000, v18;
	vm11 =	vgt.f32 v4, v2  }
0xab: {  	v2 =	vsel vm11, v4, v2  }
0xac: {  	vm13 =	vgt.f32 v3, v2  }
0xad: {  	v2 =	vsel vm13, v3, v2  }
0xae: {  	v2 =	vsub.f32 v2, v19;
	_ =	sdelay $0x1  }
0xaf: {  	v2 =	vmul.f32 $1.442695020e+00, v2;
	_ =	sdelay $0x1  }
0xb0: {  	(erf) = vpow2.f32 v2;
	_ =	sdelay $0x8  }
0xb1: {  	v2 =	vpop (erf)  }
0xb2: {  	v3 =	vsel vm0, $0x1, v0;
	v4 =	vadd.f32 $1.000000000e+00, v2  }
0xb3: {  	v3 =	vsel vm1, $0x2, v3  }
0xb4: {  	v3 =	vsel vm2, $0x3, v3;
	(erf) = vrcp.f32 v4  }
0xb5: {  	v3 =	vsel vm3, $0x4, v3  }
0xb6: {  	v3 =	vsel vm4, $0x5, v3  }
0xb7: {  	v3 =	vsel vm5, $0x6, v3  }
0xb8: {  	v3 =	vsel vm6, $0x7, v3  }
0xb9: {  	v3 =	vsel vm7, $0x8, v3  }
0xba: {  	v3 =	vsel vm8, $0x9, v3  }
0xbb: {  	s18 =	sshll.u32 s13, $0x5;
	s13 =	smov.u32 s17;
	v3 =	vsel vm9, $0xA, v3  }
.Ltmp0:
0xbc: {  	s18 =	sand.u32 $0xFFFFFF00, s18;
	v3 =	vsel vm10, $0xB, v3;
	(pc) =	sbr.rel @p0 .LBB2_2-.Ltmp0, $4  }
0xbd: {  	s17 =	sor.u32 s12, s18;
	s11 =	sor.u32 s18, s11;
	s12 =	smov.u32 s16;
	v3 =	vsel vm14, $0xC, v3;
	v4 =	vpop (erf)  }
0xbe: {  	s19 =	sor.u32 $0x80, s11;
	s11 =	smov.u32 s14;
	v3 =	vsel vm12, $0xD, v3;
	[tilespmem:s17+$0x1000] =	vst v4;
	v4 =	vmul.f32 v4, v2  }
0xbf: {  	v2 =	vsel vm11, $0xE, v3  }
0xc0: {  	s20 =	sshll.u32 s13, $0x7;
	s18 =	smov.u32 s15;
	s14 =	sadd.s32 $0x10, s14;
	v2 =	vsel vm13, $0xF, v2;
	[tilespmem:s19+$0x1000] =	vst v4  }
0xc1: {  	s14 =	sand.u32 $0x3FFFFC00, s20;
	[tilespmem:s17+$0x1200] =	vst v1  }
0xc2: {  	s14 =	sor.u32 s12, s14;
	[tilespmem:s19+$0x1200] =	vst v2  }
0xc3: {  	v1 =	vld [tilespmem:s14+$0x0]  }
0xc4: {  	v2 =	vld [tilespmem:s14+$0x80];
	_ =	sdelay $0x1  }
0xc5: {  	v3 =	vld [tilespmem:s14+$0x100];
	_ =	sdelay $0x1  }
0xc6: {  	v4 =	vld [tilespmem:s14+$0x180]  }
0xc7: {  	vm0 =	vgt.f32 v2, v1  }
0xc8: {  	v5 =	vld [tilespmem:s14+$0x200];
	v6 =	vsel vm0, v2, v1  }
0xc9: {  	vm1 =	vgt.f32 v3, v6  }
0xca: {  	v7 =	vld [tilespmem:s14+$0x280];
	v6 =	vsel vm1, v3, v6  }
0xcb: {  	vm2 =	vgt.f32 v4, v6  }
0xcc: {  	v8 =	vld [tilespmem:s14+$0x300];
	v6 =	vsel vm2, v4, v6  }
0xcd: {  	vm3 =	vgt.f32 v5, v6  }
0xce: {  	v9 =	vld [tilespmem:s14+$0x380];
	v6 =	vsel vm3, v5, v6  }
0xcf: {  	vm4 =	vgt.f32 v7, v6  }
0xd0: {  	v10 =	vld [tilespmem:s14+$0x800];
	v6 =	vsel vm4, v7, v6  }
0xd1: {  	vm5 =	vgt.f32 v8, v6  }
0xd2: {  	v11 =	vld [tilespmem:s14+$0x880];
	v6 =	vsel vm5, v8, v6  }
0xd3: {  	vm6 =	vgt.f32 v9, v6  }
0xd4: {  	v12 =	vld [tilespmem:s14+$0x900];
	v6 =	vsel vm6, v9, v6  }
0xd5: {  	vm7 =	vgt.f32 v10, v6  }
0xd6: {  	v13 =	vld [tilespmem:s14+$0x980];
	v14 =	vsel vm0, $0x1, v0;
	v6 =	vsel vm7, v10, v6  }
0xd7: {  	v14 =	vsel vm1, $0x2, v14;
	vm12 =	vgt.f32 v11, v6  }
0xd8: {  	v15 =	vld [tilespmem:s14+$0xA00];
	v14 =	vsel vm2, $0x3, v14;
	v6 =	vsel vm12, v11, v6  }
0xd9: {  	v14 =	vsel vm3, $0x4, v14;
	vm13 =	vgt.f32 v12, v6  }
0xda: {  	v16 =	vld [tilespmem:s14+$0xA80];
	v14 =	vsel vm4, $0x5, v14;
	v6 =	vsel vm13, v12, v6  }
0xdb: {  	v14 =	vsel vm5, $0x6, v14;
	vm14 =	vgt.f32 v13, v6  }
0xdc: {  	v17 =	vld [tilespmem:s14+$0xB00];
	v14 =	vsel vm6, $0x7, v14;
	v6 =	vsel vm14, v13, v6  }
0xdd: {  	v14 =	vsel vm7, $0x8, v14;
	vm15 =	vgt.f32 v15, v6  }
0xde: {  	v18 =	vld [tilespmem:s14+$0xB80];
	v14 =	vsel vm12, $0x9, v14;
	v6 =	vsel vm15, v15, v6  }
0xdf: {  	v14 =	vsel vm13, $0xA, v14;
	vm5 =	vgt.f32 v16, v6  }
0xe0: {  	v14 =	vsel vm14, $0xB, v14;
	v6 =	vsel vm5, v16, v6  }
0xe1: {  	v14 =	vsel vm15, $0xC, v14;
	vm6 =	vgt.f32 v17, v6  }
0xe2: {  	v14 =	vsel vm5, $0xD, v14;
	v6 =	vsel vm6, v17, v6  }
0xe3: {  	v14 =	vsel vm6, $0xE, v14;
	vm0 =	vgt.f32 v18, v6  }
0xe4: {  	v14 =	vsel vm0, $0xF, v14  }
0xe5: {  	vm7 =	veq.s32 v14, $0x0  }
0xe6: {  	v1 =	vsel vm7, $0xFF800000, v1  }
0xe7: {  	vm8 =	veq.s32 v14, $0x1;
	vm9 =	vgt.f32 v1, $-Inf  }
0xe8: {  	v2 =	vsel vm8, $0xFF800000, v2;
	v1 =	vnsel vm9, $0xFF800000, v1  }
0xe9: {  	vm10 =	veq.s32 v14, $0x2;
	vm1 =	vgt.f32 v2, v1  }
0xea: {  	v3 =	vsel vm10, $0xFF800000, v3;
	v1 =	vsel vm1, v2, v1  }
0xeb: {  	vm11 =	veq.s32 v14, $0x3;
	vm2 =	vgt.f32 v3, v1  }
0xec: {  	v2 =	vsel vm11, $0xFF800000, v4;
	v1 =	vsel vm2, v3, v1  }
0xed: {  	vm12 =	veq.s32 v14, $0x4;
	vm3 =	vgt.f32 v2, v1  }
0xee: {  	v3 =	vsel vm12, $0xFF800000, v5;
	v1 =	vsel vm3, v2, v1  }
0xef: {  	vm13 =	veq.s32 v14, $0x5;
	vm4 =	vgt.f32 v3, v1  }
0xf0: {  	v2 =	vsel vm13, $0xFF800000, v7;
	v1 =	vsel vm4, v3, v1  }
0xf1: {  	vm14 =	veq.s32 v14, $0x6;
	vm5 =	vgt.f32 v2, v1  }
0xf2: {  	v3 =	vsel vm14, $0xFF800000, v8;
	v1 =	vsel vm5, v2, v1  }
0xf3: {  	vm15 =	veq.s32 v14, $0x7;
	vm6 =	vgt.f32 v3, v1  }
0xf4: {  	v2 =	vsel vm15, $0xFF800000, v9;
	v1 =	vsel vm6, v3, v1  }
0xf5: {  	vm8 =	veq.s32 v14, $0x8;
	vm7 =	vgt.f32 v2, v1  }
0xf6: {  	v3 =	vsel vm8, $0xFF800000, v10;
	v1 =	vsel vm7, v2, v1  }
0xf7: {  	vm9 =	veq.s32 v14, $0x9;
	vm8 =	vgt.f32 v3, v1  }
0xf8: {  	v2 =	vsel vm9, $0xFF800000, v11;
	v1 =	vsel vm8, v3, v1  }
0xf9: {  	vm10 =	veq.s32 v14, $0xA;
	vm9 =	vgt.f32 v2, v1  }
0xfa: {  	v3 =	vsel vm10, $0xFF800000, v12;
	v1 =	vsel vm9, v2, v1  }
0xfb: {  	vm11 =	veq.s32 v14, $0xB;
	vm10 =	vgt.f32 v3, v1  }
0xfc: {  	v2 =	vsel vm11, $0xFF800000, v13;
	v1 =	vsel vm10, v3, v1  }
0xfd: {  	vm12 =	veq.s32 v14, $0xC;
	vm11 =	vgt.f32 v2, v1  }
0xfe: {  	v3 =	vsel vm12, $0xFF800000, v15;
	v1 =	vsel vm11, v2, v1  }
0xff: {  	vm13 =	veq.s32 v14, $0xD;
	vm12 =	vgt.f32 v3, v1  }
0x100: {  	v2 =	vsel vm13, $0xFF800000, v16;
	v1 =	vsel vm12, v3, v1  }
0x101: {  	vm14 =	veq.s32 v14, $0xE;
	vm13 =	vgt.f32 v2, v1  }
0x102: {  	v3 =	vsel vm14, $0xFF800000, v17;
	v1 =	vsel vm13, v2, v1  }
0x103: {  	vm15 =	veq.s32 v14, $0xF;
	vm14 =	vgt.f32 v3, v1  }
0x104: {  	v2 =	vsel vm15, $0xFF800000, v18;
	v1 =	vsel vm14, v3, v1  }
0x105: {  	vm15 =	vgt.f32 v2, v1  }
0x106: {  	v3 =	vsel vm0, v18, v6;
	v1 =	vsel vm15, v2, v1  }
0x107: {  	v1 =	vsub.f32 v1, v3;
	_ =	sdelay $0x1  }
0x108: {  	v1 =	vmul.f32 $1.442695020e+00, v1;
	_ =	sdelay $0x1  }
0x109: {  	(erf) = vpow2.f32 v1;
	_ =	sdelay $0x8  }
0x10a: {  	v1 =	vpop (erf)  }
0x10b: {  	v2 =	vadd.f32 $1.000000000e+00, v1  }
0x10c: {  	v3 =	vsel vm1, $0x1, v0  }
0x10d: {  	v3 =	vsel vm2, $0x2, v3;
	(erf) = vrcp.f32 v2  }
0x10e: {  	v2 =	vsel vm3, $0x3, v3  }
0x10f: {  	v2 =	vsel vm4, $0x4, v2  }
0x110: {  	v2 =	vsel vm5, $0x5, v2  }
0x111: {  	v2 =	vsel vm6, $0x6, v2  }
0x112: {  	v2 =	vsel vm7, $0x7, v2  }
0x113: {  	v2 =	vsel vm8, $0x8, v2  }
0x114: {  	v2 =	vsel vm9, $0x9, v2  }
0x115: {  	s13 =	sshll.u32 s13, $0x5;
	v2 =	vsel vm10, $0xA, v2  }
0x116: {  	s13 =	sand.u32 $0xFFFFFF00, s13;
	v2 =	vsel vm11, $0xB, v2;
	v3 =	vpop (erf)  }
0x117: {  	s31 =	sor.u32 s12, s13;
	s11 =	sor.u32 s13, s11;
	v2 =	vsel vm12, $0xC, v2;
	v1 =	vmul.f32 v3, v1  }
0x118: {  	s11 =	sor.u32 $0x80, s11;
	v2 =	vsel vm13, $0xD, v2;
	[tilespmem:s31+$0x1000] =	vst v3  }
0x119: {  	v2 =	vsel vm14, $0xE, v2;
	[tilespmem:s11+$0x1000] =	vst v1  }
0x11a: {  	v1 =	vsel vm15, $0xF, v2;
	[tilespmem:s31+$0x1200] =	vst v14  }
0x11b: {  	[tilespmem:s11+$0x1200] =	vst v1  }
0x11c: {  	[hbm4b:s4+s2] =	stream.linear.scatter [tilespmem:s8], [sflag:$0x1], $0x200, $0x38;
	[tilespmem:$0x1400] =	vst v63  }
0x11d: {  	s10 =	sadd.s32 $0x1, s10;
	_ =	swait.ge [sflag:s7], $0x200  }
0x11e: {  	p0 =	sne.s32 s10, s6;
	[sflag:s7] =	ssyncset.done $0x0  }
.Ltmp1:
0x11f: {  	[sflag:s7] =	ssyncadd.s32 $0xFFFFFE00;
	(pc) =	sbr.rel @p0 .LBB2_1-.Ltmp1, $4  }
0x120: {  	[hbm4b:s5+s2] =	stream.linear.scatter [tilespmem:s9], [sflag:$0x1], $0x200, $0x38;
	[tilespmem:$0x1400] =	vst v63  }
0x121: {  	_ =	swait.ge [sflag:s7], $0x200  }
0x122: {  	[sflag:s7] =	ssyncset.done $0x0  }
0x123: {  	[sflag:s7] =	ssyncadd.s32 $0xFFFFFE00  }
0x124: {  	_ =	sfence.sel $0x180000  }
0x125: {  	[bflag:$0x0] =	sbarrier.arrive $0xFFFF  }
0x126: {  	p0 =	sne.s32 s1, $0x0;
	_ =	strace $0x90000047  }
0x127: {  	s0 =	sadd.s32 @!p0 $0x100000, s0;
	[bflag:$0x2] =	sbarrier.arrive $0xFFFF  }
0x128: {  	[sflag:s0] =	ssyncadd.tile.s32 @!p0 $0x1;
	_ =	shalt  }
.Lfunc_end2:
_tile_overlayer_lowered:
.L_overlay_start_2:
0x129: {  	(tag) =	ssettag $0x2  }
0x12a: {  	s0 =	rddreg [dreg:$0x0];
	s2 =	stileid.u32  }
0x12b: {  	s1 =	rddreg [dreg:$0x1];
	p0 =	sne.s32 s2, $0x0  }
0x12c: {  	s3 =	rddreg [dreg:$0x2];
	[bflag:$0x3] =	sbarrier.arrive $0xFFFF;
	s2 =	simm.s32 @!p0 $0x1C01  }
0x12d: {  	[timem:s3], [sflag:s2] =	dma.local @!p0 [hbm:s0], s1  }
0x12e: {  	s0 =	simm.s32 @!p0 $0x1  }
0x12f: {  	_ =	swait.ge @!p0 [sflag:s0], s1  }
0x130: {  	s1 =	ssub.s32 @!p0 $0x0, s1;
	[sflag:s0] =	ssyncset.done @!p0 $0x0  }
0x131: {  	[sflag:s0] =	ssyncadd.s32 @!p0 s1  }
0x132: {  	[bflag:$0x3] =	sbarrier.arrive $0xFFFF  }
0x133: {  	_ =	shalt  }

</sc_bundles>
